<compile_context>
chip_gen: v7x
topology: tpu7x:2x2x1
jax: 0.10.2.dev20260603
libtpu: 0.0.44.dev20260713+nightly
codegen_flags: <defaults>
</compile_context>

<pallas_src>
import functools

import jax
import jax.numpy as jnp
from jax import lax
from jax.experimental import pallas as pl
from jax.experimental.pallas import tpu as pltpu
from jax.experimental.pallas import tpu_sc as plsc

NUM_EMBEDDINGS = 8192
EMBEDDING_DIM = 64
COMMITMENT_COST = 0.25

BM = 4096


NK = 4096
NBLK = NUM_EMBEDDINGS // NK


def _argmin_body(x_ref, emb_ref, idx_ref, loss_ref, rmin_s, ridx_s, emin_s,
                 esq_s, xsq_s):
    j = pl.program_id(0)
    i = pl.program_id(1)
    bm = x_ref.shape[0]
    x = x_ref[...]
    e = emb_ref[...]
    sl = pl.ds(i * bm, bm)

    @pl.when(i == 0)
    def _esq():
        et = jnp.transpose(e)
        esq_s[...] = jnp.transpose(
            jnp.sum(et * et, axis=0, keepdims=True))

    @pl.when(j == 0)
    def _xsq():
        xt = jnp.transpose(x)
        xsq_s[sl] = jnp.sum(xt * xt, axis=0)

    xsq = xsq_s[sl][None, :]
    esq = esq_s[...]
    prod_t = lax.dot_general(
        e, x, (((1,), (1,)), ((), ())),
        preferred_element_type=jnp.float32)
    scores_t = (esq + xsq) - 2.0 * prod_t
    cmin = jnp.min(scores_t, axis=0)
    rows = lax.broadcasted_iota(jnp.int32, scores_t.shape, 0)
    cidx = jnp.min(
        jnp.where(scores_t == cmin[None, :], rows, jnp.int32(NK)), axis=0)
    cidx = cidx + j * NK
    cmin_bf = cmin.astype(jnp.bfloat16).astype(jnp.float32)

    @pl.when(j == 0)
    def _first():
        rmin_s[sl] = cmin_bf
        ridx_s[sl] = cidx
        emin_s[sl] = cmin

    @pl.when(j > 0)
    def _update():
        av = rmin_s[sl]
        ai = ridx_s[sl]
        keep = (av < cmin) | ((av == cmin) & (ai < cidx))
        rmin_s[sl] = jnp.where(keep, av, cmin_bf)
        ridx_s[sl] = jnp.where(keep, ai, cidx)
        emin_s[sl] = jnp.minimum(emin_s[sl], cmin)

    idx_ref[0, 0, :] = ridx_s[sl]

    @pl.when(j == NBLK - 1)
    def _loss():
        bsum = jnp.sum(emin_s[sl]).reshape(1, 1)

        @pl.when(i == 0)
        def _init():
            loss_ref[...] = bsum

        @pl.when(i > 0)
        def _acc():
            loss_ref[...] += bsum


D_PAD = 128


def _make_sc_gather():
    info = plsc.get_sparse_core_info()
    nc, ns = info.num_cores, info.num_subcores
    nw = nc * ns
    b = 16384
    b_per_w = b // nw
    chunk = 128
    nchunk = b_per_w // chunk
    mesh = plsc.VectorSubcoreMesh(core_axis_name="c", subcore_axis_name="s")

    @functools.partial(
        pl.kernel, mesh=mesh,
        out_type=jax.ShapeDtypeStruct((b, D_PAD), jnp.float32),
        scratch_types=[
            pltpu.VMEM((nchunk, chunk), jnp.int32),
            pltpu.VMEM((nchunk, chunk, D_PAD), jnp.float32),
            pltpu.SemaphoreType.DMA,
        ],
    )
    def gather_k(table_hbm, idx_hbm, out_hbm, idx_v, rows_v, sem):
        wid = lax.axis_index("s") * nc + lax.axis_index("c")
        base = wid * b_per_w
        for j in range(nchunk):
            pltpu.sync_copy(
                idx_hbm.at[pl.ds(base + j * chunk, chunk)], idx_v.at[j])
        copies = []
        for j in range(nchunk):
            copies.append(
                pltpu.async_copy(table_hbm.at[idx_v.at[j]], rows_v.at[j], sem))
        for j in range(nchunk):
            copies[j].wait()
        for j in range(nchunk):
            pltpu.sync_copy(
                rows_v.at[j], out_hbm.at[pl.ds(base + j * chunk, chunk)])

    return gather_k


def kernel(inputs, embedding):
    B, C, H, W = inputs.shape
    n_tok = B * H * W
    x = jnp.transpose(inputs, (0, 2, 3, 1)).reshape(n_tok, C)

    grid = (NBLK, n_tok // BM)
    idx_blocks, loss_sum = pl.pallas_call(
        _argmin_body,
        grid=grid,
        in_specs=[
            pl.BlockSpec((BM, C), lambda j, i: (i, 0)),
            pl.BlockSpec((NK, C), lambda j, i: (j, 0)),
        ],
        out_specs=[
            pl.BlockSpec((1, 1, BM), lambda j, i: (i, 0, 0)),
            pl.BlockSpec((1, 1), lambda j, i: (0, 0)),
        ],
        out_shape=[
            jax.ShapeDtypeStruct((n_tok // BM, 1, BM), jnp.int32),
            jax.ShapeDtypeStruct((1, 1), jnp.float32),
        ],
        scratch_shapes=[
            pltpu.VMEM((n_tok,), jnp.float32),
            pltpu.VMEM((n_tok,), jnp.int32),
            pltpu.VMEM((n_tok,), jnp.float32),
            pltpu.VMEM((NK, 1), jnp.float32),
            pltpu.VMEM((n_tok,), jnp.float32),
        ],
    )(x, embedding)

    idx_flat = idx_blocks.reshape(n_tok)
    table = jnp.pad(embedding, ((0, 0), (0, D_PAD - C)))
    quant_flat = _make_sc_gather()(table, idx_flat)

    quantized = jnp.transpose(
        quant_flat[:, :C].reshape(B, H, W, C), (0, 3, 1, 2))
    loss = (loss_sum[0, 0] * (COMMITMENT_COST / float(n_tok * C))).reshape(())
    return quantized, loss, idx_flat.reshape(B, H * W)

# --- scband reference (transcript-rebuilt; emitter-appended) ---
"""Pipeline reference for scband-emavector-quantizer-429496730211 (READ-ONLY COPY).

The authoritative reference and input builder live on the scoring server;
editing this copy changes nothing except your own understanding.
"""

import jax, jax.numpy as jnp
import numpy as np

NUM_EMBEDDINGS = 8192
EMBEDDING_DIM = 64
COMMITMENT_COST = 0.25


def setup_inputs(seed: int = 0) -> dict:
    key = jax.random.key(seed)
    k1, k2 = jax.random.split(key)
    inputs = jax.random.normal(k1, (16, EMBEDDING_DIM, 32, 32), dtype=jnp.float32)
    # learned/EMA codebook buffer, initialized ~N(0,1) as in torch module
    embedding = jax.random.normal(k2, (NUM_EMBEDDINGS, EMBEDDING_DIM), dtype=jnp.float32)
    return {"inputs": inputs, "embedding": embedding}


def reference(inputs, embedding):
    # NCHW -> NHWC
    x = jnp.transpose(inputs, (0, 2, 3, 1))
    input_shape = x.shape
    flat_input = x.reshape(-1, embedding.shape[1])
    # squared L2 distances to all codes
    distances = (
        jnp.sum(flat_input ** 2, axis=1, keepdims=True)
        + jnp.sum(embedding ** 2, axis=1)
        - 2.0 * flat_input @ embedding.T
    )
    encoding_indices = jnp.argmin(distances, axis=1)
    quantized = jnp.take(embedding, encoding_indices, axis=0).reshape(input_shape)
    e_latent_loss = jnp.mean((jax.lax.stop_gradient(quantized) - x) ** 2)
    loss = COMMITMENT_COST * e_latent_loss
    # straight-through estimator
    quantized_st = x + jax.lax.stop_gradient(quantized - x)
    B = input_shape[0]
    return (
        jnp.transpose(quantized_st, (0, 3, 1, 2)),
        loss,
        encoding_indices.reshape(B, -1),
    )

if __name__ == "__main__":
    import jax
    _d = setup_inputs()
    print(jax.jit(kernel)(*tuple(_d.values())))

</pallas_src>

<mosaic_0001>
#map = affine_map<(d0, d1) -> (0, 0)>
#map1 = affine_map<(d0, d1) -> (0)>
module attributes {stable_mosaic.version = 14 : i64} {
  func.func @gather_k(%arg0: i32, %arg1: i32, %arg2: memref<8192x128xf32, #tpu.memory_space<hbm>>, %arg3: memref<16384xi32, #tpu.memory_space<hbm>>, %arg4: memref<16384x128xf32, #tpu.memory_space<hbm>>, %arg5: memref<4x128xi32, #tpu.memory_space<vmem>>, %arg6: memref<4x128x128xf32, #tpu.memory_space<vmem>>, %arg7: memref<!tpu.dma_semaphore, #tpu.memory_space<semaphore_mem>>) attributes {dimension_semantics = [#tpu.dimension_semantics<core_parallel>, #tpu.dimension_semantics<subcore_parallel>], iteration_bounds = array<i64: 2, 16>, scalar_prefetch = 0 : i64, scratch_operands = 3 : i64, tpu.core_type = #tpu.core_type<sc_vector_subcore>, window_params = [{transform_indices = #map}, {transform_indices = #map1}, {transform_indices = #map}]} {
    %mul3A = arith.constant 2 : i32
    %mul3A_0 = arith.muli %arg1, %mul3A : i32
    %add3A = arith.addi %mul3A_0, %arg0 : i32
    %mul3A_1 = arith.constant 512 : i32
    %mul3A_2 = arith.muli %add3A, %mul3A_1 : i32
    %add3A_3 = arith.constant 0 : i32
    %add3A_4 = arith.addi %mul3A_2, %add3A_3 : i32
    %run_scoped3A = arith.constant 0 : i32
    "tpu.region"() ({
      %run_scoped3A_120 = tpu.sem_alloc : memref<!tpu.dma_semaphore, #tpu.memory_space<semaphore_mem>>
      %dma_start3A_121 = arith.constant 0 : i32
      %dma_start3A_122 = tpu.memref_slice %arg5[%run_scoped3A, %dma_start3A_121] : memref<4x128xi32, #tpu.memory_space<vmem>> -> memref<1x128xi32, #tpu.memory_space<vmem>>
      %dma_start3A_123 = tpu.memref_squeeze %dma_start3A_122 : memref<1x128xi32, #tpu.memory_space<vmem>> -> memref<128xi32, #tpu.memory_space<vmem>>
      %dma_start3A_124 = tpu.memref_slice %arg3[%add3A_4] : memref<16384xi32, #tpu.memory_space<hbm>> -> memref<128xi32, #tpu.memory_space<hbm>>
      %dma_start3A_125 = arith.constant 0 : i32
      %dma_start3A_126 = tpu.memref_slice %arg5[%run_scoped3A, %dma_start3A_125] : memref<4x128xi32, #tpu.memory_space<vmem>> -> memref<1x128xi32, #tpu.memory_space<vmem>>
      %dma_start3A_127 = tpu.memref_squeeze %dma_start3A_126 : memref<1x128xi32, #tpu.memory_space<vmem>> -> memref<128xi32, #tpu.memory_space<vmem>>
      %dma_start3A_128 = tpu.memref_slice %arg3[%add3A_4] : memref<16384xi32, #tpu.memory_space<hbm>> -> memref<128xi32, #tpu.memory_space<hbm>>
      tpu.enqueue_dma source(%dma_start3A_128 : memref<128xi32, #tpu.memory_space<hbm>>) target(%dma_start3A_127 : memref<128xi32, #tpu.memory_space<vmem>>) target_semaphore(%run_scoped3A_120 : memref<!tpu.dma_semaphore, #tpu.memory_space<semaphore_mem>>)
      %dma_wait3A_129 = arith.constant 0 : i32
      %dma_wait3A_130 = tpu.memref_slice %arg5[%run_scoped3A, %dma_wait3A_129] : memref<4x128xi32, #tpu.memory_space<vmem>> -> memref<1x128xi32, #tpu.memory_space<vmem>>
      %dma_wait3A_131 = tpu.memref_squeeze %dma_wait3A_130 : memref<1x128xi32, #tpu.memory_space<vmem>> -> memref<128xi32, #tpu.memory_space<vmem>>
      %dma_wait3A_132 = tpu.memref_slice %arg3[%add3A_4] : memref<16384xi32, #tpu.memory_space<hbm>> -> memref<128xi32, #tpu.memory_space<hbm>>
      %dma_wait3A_133 = arith.constant 0 : i32
      %dma_wait3A_134 = tpu.memref_slice %arg5[%run_scoped3A, %dma_wait3A_133] : memref<4x128xi32, #tpu.memory_space<vmem>> -> memref<1x128xi32, #tpu.memory_space<vmem>>
      %dma_wait3A_135 = tpu.memref_squeeze %dma_wait3A_134 : memref<1x128xi32, #tpu.memory_space<vmem>> -> memref<128xi32, #tpu.memory_space<vmem>>
      %dma_wait3A_136 = tpu.memref_slice %arg3[%add3A_4] : memref<16384xi32, #tpu.memory_space<hbm>> -> memref<128xi32, #tpu.memory_space<hbm>>
      tpu.wait_dma2 semaphore(%run_scoped3A_120 : memref<!tpu.dma_semaphore, #tpu.memory_space<semaphore_mem>>) src(%dma_wait3A_136 : memref<128xi32, #tpu.memory_space<hbm>>) dst(%dma_wait3A_135 : memref<128xi32, #tpu.memory_space<vmem>>)
      tpu.yield
    }) : () -> ()
    %add3A_5 = arith.constant 128 : i32
    %add3A_6 = arith.addi %mul3A_2, %add3A_5 : i32
    %run_scoped3A_7 = arith.constant 1 : i32
    "tpu.region"() ({
      %run_scoped3A_120 = tpu.sem_alloc : memref<!tpu.dma_semaphore, #tpu.memory_space<semaphore_mem>>
      %dma_start3A_121 = arith.constant 0 : i32
      %dma_start3A_122 = tpu.memref_slice %arg5[%run_scoped3A_7, %dma_start3A_121] : memref<4x128xi32, #tpu.memory_space<vmem>> -> memref<1x128xi32, #tpu.memory_space<vmem>>
      %dma_start3A_123 = tpu.memref_squeeze %dma_start3A_122 : memref<1x128xi32, #tpu.memory_space<vmem>> -> memref<128xi32, #tpu.memory_space<vmem>>
      %dma_start3A_124 = tpu.memref_slice %arg3[%add3A_6] : memref<16384xi32, #tpu.memory_space<hbm>> -> memref<128xi32, #tpu.memory_space<hbm>>
      %dma_start3A_125 = arith.constant 0 : i32
      %dma_start3A_126 = tpu.memref_slice %arg5[%run_scoped3A_7, %dma_start3A_125] : memref<4x128xi32, #tpu.memory_space<vmem>> -> memref<1x128xi32, #tpu.memory_space<vmem>>
      %dma_start3A_127 = tpu.memref_squeeze %dma_start3A_126 : memref<1x128xi32, #tpu.memory_space<vmem>> -> memref<128xi32, #tpu.memory_space<vmem>>
      %dma_start3A_128 = tpu.memref_slice %arg3[%add3A_6] : memref<16384xi32, #tpu.memory_space<hbm>> -> memref<128xi32, #tpu.memory_space<hbm>>
      tpu.enqueue_dma source(%dma_start3A_128 : memref<128xi32, #tpu.memory_space<hbm>>) target(%dma_start3A_127 : memref<128xi32, #tpu.memory_space<vmem>>) target_semaphore(%run_scoped3A_120 : memref<!tpu.dma_semaphore, #tpu.memory_space<semaphore_mem>>)
      %dma_wait3A_129 = arith.constant 0 : i32
      %dma_wait3A_130 = tpu.memref_slice %arg5[%run_scoped3A_7, %dma_wait3A_129] : memref<4x128xi32, #tpu.memory_space<vmem>> -> memref<1x128xi32, #tpu.memory_space<vmem>>
      %dma_wait3A_131 = tpu.memref_squeeze %dma_wait3A_130 : memref<1x128xi32, #tpu.memory_space<vmem>> -> memref<128xi32, #tpu.memory_space<vmem>>
      %dma_wait3A_132 = tpu.memref_slice %arg3[%add3A_6] : memref<16384xi32, #tpu.memory_space<hbm>> -> memref<128xi32, #tpu.memory_space<hbm>>
      %dma_wait3A_133 = arith.constant 0 : i32
      %dma_wait3A_134 = tpu.memref_slice %arg5[%run_scoped3A_7, %dma_wait3A_133] : memref<4x128xi32, #tpu.memory_space<vmem>> -> memref<1x128xi32, #tpu.memory_space<vmem>>
      %dma_wait3A_135 = tpu.memref_squeeze %dma_wait3A_134 : memref<1x128xi32, #tpu.memory_space<vmem>> -> memref<128xi32, #tpu.memory_space<vmem>>
      %dma_wait3A_136 = tpu.memref_slice %arg3[%add3A_6] : memref<16384xi32, #tpu.memory_space<hbm>> -> memref<128xi32, #tpu.memory_space<hbm>>
      tpu.wait_dma2 semaphore(%run_scoped3A_120 : memref<!tpu.dma_semaphore, #tpu.memory_space<semaphore_mem>>) src(%dma_wait3A_136 : memref<128xi32, #tpu.memory_space<hbm>>) dst(%dma_wait3A_135 : memref<128xi32, #tpu.memory_space<vmem>>)
      tpu.yield
    }) : () -> ()
    %add3A_8 = arith.constant 256 : i32
    %add3A_9 = arith.addi %mul3A_2, %add3A_8 : i32
    %run_scoped3A_10 = arith.constant 2 : i32
    "tpu.region"() ({
      %run_scoped3A_120 = tpu.sem_alloc : memref<!tpu.dma_semaphore, #tpu.memory_space<semaphore_mem>>
      %dma_start3A_121 = arith.constant 0 : i32
      %dma_start3A_122 = tpu.memref_slice %arg5[%run_scoped3A_10, %dma_start3A_121] : memref<4x128xi32, #tpu.memory_space<vmem>> -> memref<1x128xi32, #tpu.memory_space<vmem>>
      %dma_start3A_123 = tpu.memref_squeeze %dma_start3A_122 : memref<1x128xi32, #tpu.memory_space<vmem>> -> memref<128xi32, #tpu.memory_space<vmem>>
      %dma_start3A_124 = tpu.memref_slice %arg3[%add3A_9] : memref<16384xi32, #tpu.memory_space<hbm>> -> memref<128xi32, #tpu.memory_space<hbm>>
      %dma_start3A_125 = arith.constant 0 : i32
      %dma_start3A_126 = tpu.memref_slice %arg5[%run_scoped3A_10, %dma_start3A_125] : memref<4x128xi32, #tpu.memory_space<vmem>> -> memref<1x128xi32, #tpu.memory_space<vmem>>
      %dma_start3A_127 = tpu.memref_squeeze %dma_start3A_126 : memref<1x128xi32, #tpu.memory_space<vmem>> -> memref<128xi32, #tpu.memory_space<vmem>>
      %dma_start3A_128 = tpu.memref_slice %arg3[%add3A_9] : memref<16384xi32, #tpu.memory_space<hbm>> -> memref<128xi32, #tpu.memory_space<hbm>>
      tpu.enqueue_dma source(%dma_start3A_128 : memref<128xi32, #tpu.memory_space<hbm>>) target(%dma_start3A_127 : memref<128xi32, #tpu.memory_space<vmem>>) target_semaphore(%run_scoped3A_120 : memref<!tpu.dma_semaphore, #tpu.memory_space<semaphore_mem>>)
      %dma_wait3A_129 = arith.constant 0 : i32
      %dma_wait3A_130 = tpu.memref_slice %arg5[%run_scoped3A_10, %dma_wait3A_129] : memref<4x128xi32, #tpu.memory_space<vmem>> -> memref<1x128xi32, #tpu.memory_space<vmem>>
      %dma_wait3A_131 = tpu.memref_squeeze %dma_wait3A_130 : memref<1x128xi32, #tpu.memory_space<vmem>> -> memref<128xi32, #tpu.memory_space<vmem>>
      %dma_wait3A_132 = tpu.memref_slice %arg3[%add3A_9] : memref<16384xi32, #tpu.memory_space<hbm>> -> memref<128xi32, #tpu.memory_space<hbm>>
      %dma_wait3A_133 = arith.constant 0 : i32
      %dma_wait3A_134 = tpu.memref_slice %arg5[%run_scoped3A_10, %dma_wait3A_133] : memref<4x128xi32, #tpu.memory_space<vmem>> -> memref<1x128xi32, #tpu.memory_space<vmem>>
      %dma_wait3A_135 = tpu.memref_squeeze %dma_wait3A_134 : memref<1x128xi32, #tpu.memory_space<vmem>> -> memref<128xi32, #tpu.memory_space<vmem>>
      %dma_wait3A_136 = tpu.memref_slice %arg3[%add3A_9] : memref<16384xi32, #tpu.memory_space<hbm>> -> memref<128xi32, #tpu.memory_space<hbm>>
      tpu.wait_dma2 semaphore(%run_scoped3A_120 : memref<!tpu.dma_semaphore, #tpu.memory_space<semaphore_mem>>) src(%dma_wait3A_136 : memref<128xi32, #tpu.memory_space<hbm>>) dst(%dma_wait3A_135 : memref<128xi32, #tpu.memory_space<vmem>>)
      tpu.yield
    }) : () -> ()
    %add3A_11 = arith.constant 384 : i32
    %add3A_12 = arith.addi %mul3A_2, %add3A_11 : i32
    %run_scoped3A_13 = arith.constant 3 : i32
    "tpu.region"() ({
      %run_scoped3A_120 = tpu.sem_alloc : memref<!tpu.dma_semaphore, #tpu.memory_space<semaphore_mem>>
      %dma_start3A_121 = arith.constant 0 : i32
      %dma_start3A_122 = tpu.memref_slice %arg5[%run_scoped3A_13, %dma_start3A_121] : memref<4x128xi32, #tpu.memory_space<vmem>> -> memref<1x128xi32, #tpu.memory_space<vmem>>
      %dma_start3A_123 = tpu.memref_squeeze %dma_start3A_122 : memref<1x128xi32, #tpu.memory_space<vmem>> -> memref<128xi32, #tpu.memory_space<vmem>>
      %dma_start3A_124 = tpu.memref_slice %arg3[%add3A_12] : memref<16384xi32, #tpu.memory_space<hbm>> -> memref<128xi32, #tpu.memory_space<hbm>>
      %dma_start3A_125 = arith.constant 0 : i32
      %dma_start3A_126 = tpu.memref_slice %arg5[%run_scoped3A_13, %dma_start3A_125] : memref<4x128xi32, #tpu.memory_space<vmem>> -> memref<1x128xi32, #tpu.memory_space<vmem>>
      %dma_start3A_127 = tpu.memref_squeeze %dma_start3A_126 : memref<1x128xi32, #tpu.memory_space<vmem>> -> memref<128xi32, #tpu.memory_space<vmem>>
      %dma_start3A_128 = tpu.memref_slice %arg3[%add3A_12] : memref<16384xi32, #tpu.memory_space<hbm>> -> memref<128xi32, #tpu.memory_space<hbm>>
      tpu.enqueue_dma source(%dma_start3A_128 : memref<128xi32, #tpu.memory_space<hbm>>) target(%dma_start3A_127 : memref<128xi32, #tpu.memory_space<vmem>>) target_semaphore(%run_scoped3A_120 : memref<!tpu.dma_semaphore, #tpu.memory_space<semaphore_mem>>)
      %dma_wait3A_129 = arith.constant 0 : i32
      %dma_wait3A_130 = tpu.memref_slice %arg5[%run_scoped3A_13, %dma_wait3A_129] : memref<4x128xi32, #tpu.memory_space<vmem>> -> memref<1x128xi32, #tpu.memory_space<vmem>>
      %dma_wait3A_131 = tpu.memref_squeeze %dma_wait3A_130 : memref<1x128xi32, #tpu.memory_space<vmem>> -> memref<128xi32, #tpu.memory_space<vmem>>
      %dma_wait3A_132 = tpu.memref_slice %arg3[%add3A_12] : memref<16384xi32, #tpu.memory_space<hbm>> -> memref<128xi32, #tpu.memory_space<hbm>>
      %dma_wait3A_133 = arith.constant 0 : i32
      %dma_wait3A_134 = tpu.memref_slice %arg5[%run_scoped3A_13, %dma_wait3A_133] : memref<4x128xi32, #tpu.memory_space<vmem>> -> memref<1x128xi32, #tpu.memory_space<vmem>>
      %dma_wait3A_135 = tpu.memref_squeeze %dma_wait3A_134 : memref<1x128xi32, #tpu.memory_space<vmem>> -> memref<128xi32, #tpu.memory_space<vmem>>
      %dma_wait3A_136 = tpu.memref_slice %arg3[%add3A_12] : memref<16384xi32, #tpu.memory_space<hbm>> -> memref<128xi32, #tpu.memory_space<hbm>>
      tpu.wait_dma2 semaphore(%run_scoped3A_120 : memref<!tpu.dma_semaphore, #tpu.memory_space<semaphore_mem>>) src(%dma_wait3A_136 : memref<128xi32, #tpu.memory_space<hbm>>) dst(%dma_wait3A_135 : memref<128xi32, #tpu.memory_space<vmem>>)
      tpu.yield
    }) : () -> ()
    %dma_start3A = arith.constant 0 : i32
    %dma_start3A_14 = arith.constant 0 : i32
    %dma_start3A_15 = arith.constant 0 : i32
    %dma_start3A_16 = arith.constant 0 : i32
    %dma_start3A_17 = tpu.memref_slice %arg6[%dma_start3A_14, %dma_start3A_15, %dma_start3A_16] : memref<4x128x128xf32, #tpu.memory_space<vmem>> -> memref<1x128x128xf32, #tpu.memory_space<vmem>>
    %dma_start3A_18 = tpu.memref_squeeze %dma_start3A_17 : memref<1x128x128xf32, #tpu.memory_space<vmem>> -> memref<128x128xf32, #tpu.memory_space<vmem>>
    %dma_start3A_19 = arith.constant 0 : i32
    %dma_start3A_20 = tpu.memref_slice %arg5[%dma_start3A, %dma_start3A_19] : memref<4x128xi32, #tpu.memory_space<vmem>> -> memref<1x128xi32, #tpu.memory_space<vmem>>
    %dma_start3A_21 = tpu.memref_squeeze %dma_start3A_20 : memref<1x128xi32, #tpu.memory_space<vmem>> -> memref<128xi32, #tpu.memory_space<vmem>>
    %dma_start3A_22 = arith.constant 0 : i32
    %dma_start3A_23 = arith.constant 0 : i32
    %dma_start3A_24 = tpu.memref_slice %arg2[%dma_start3A_22, %dma_start3A_23] : memref<8192x128xf32, #tpu.memory_space<hbm>> -> memref<8192x128xf32, #tpu.memory_space<hbm>>
    tpu.enqueue_indirect_dma source(%dma_start3A_24 : memref<8192x128xf32, #tpu.memory_space<hbm>>) target(%dma_start3A_18 : memref<128x128xf32, #tpu.memory_space<vmem>>) offsets(%dma_start3A_21 : memref<128xi32, #tpu.memory_space<vmem>>) semaphore(%arg7 : memref<!tpu.dma_semaphore, #tpu.memory_space<semaphore_mem>>)
    %dma_start3A_25 = arith.constant 1 : i32
    %dma_start3A_26 = arith.constant 1 : i32
    %dma_start3A_27 = arith.constant 0 : i32
    %dma_start3A_28 = arith.constant 0 : i32
    %dma_start3A_29 = tpu.memref_slice %arg6[%dma_start3A_26, %dma_start3A_27, %dma_start3A_28] : memref<4x128x128xf32, #tpu.memory_space<vmem>> -> memref<1x128x128xf32, #tpu.memory_space<vmem>>
    %dma_start3A_30 = tpu.memref_squeeze %dma_start3A_29 : memref<1x128x128xf32, #tpu.memory_space<vmem>> -> memref<128x128xf32, #tpu.memory_space<vmem>>
    %dma_start3A_31 = arith.constant 0 : i32
    %dma_start3A_32 = tpu.memref_slice %arg5[%dma_start3A_25, %dma_start3A_31] : memref<4x128xi32, #tpu.memory_space<vmem>> -> memref<1x128xi32, #tpu.memory_space<vmem>>
    %dma_start3A_33 = tpu.memref_squeeze %dma_start3A_32 : memref<1x128xi32, #tpu.memory_space<vmem>> -> memref<128xi32, #tpu.memory_space<vmem>>
    %dma_start3A_34 = arith.constant 0 : i32
    %dma_start3A_35 = arith.constant 0 : i32
    %dma_start3A_36 = tpu.memref_slice %arg2[%dma_start3A_34, %dma_start3A_35] : memref<8192x128xf32, #tpu.memory_space<hbm>> -> memref<8192x128xf32, #tpu.memory_space<hbm>>
    tpu.enqueue_indirect_dma source(%dma_start3A_36 : memref<8192x128xf32, #tpu.memory_space<hbm>>) target(%dma_start3A_30 : memref<128x128xf32, #tpu.memory_space<vmem>>) offsets(%dma_start3A_33 : memref<128xi32, #tpu.memory_space<vmem>>) semaphore(%arg7 : memref<!tpu.dma_semaphore, #tpu.memory_space<semaphore_mem>>)
    %dma_start3A_37 = arith.constant 2 : i32
    %dma_start3A_38 = arith.constant 2 : i32
    %dma_start3A_39 = arith.constant 0 : i32
    %dma_start3A_40 = arith.constant 0 : i32
    %dma_start3A_41 = tpu.memref_slice %arg6[%dma_start3A_38, %dma_start3A_39, %dma_start3A_40] : memref<4x128x128xf32, #tpu.memory_space<vmem>> -> memref<1x128x128xf32, #tpu.memory_space<vmem>>
    %dma_start3A_42 = tpu.memref_squeeze %dma_start3A_41 : memref<1x128x128xf32, #tpu.memory_space<vmem>> -> memref<128x128xf32, #tpu.memory_space<vmem>>
    %dma_start3A_43 = arith.constant 0 : i32
    %dma_start3A_44 = tpu.memref_slice %arg5[%dma_start3A_37, %dma_start3A_43] : memref<4x128xi32, #tpu.memory_space<vmem>> -> memref<1x128xi32, #tpu.memory_space<vmem>>
    %dma_start3A_45 = tpu.memref_squeeze %dma_start3A_44 : memref<1x128xi32, #tpu.memory_space<vmem>> -> memref<128xi32, #tpu.memory_space<vmem>>
    %dma_start3A_46 = arith.constant 0 : i32
    %dma_start3A_47 = arith.constant 0 : i32
    %dma_start3A_48 = tpu.memref_slice %arg2[%dma_start3A_46, %dma_start3A_47] : memref<8192x128xf32, #tpu.memory_space<hbm>> -> memref<8192x128xf32, #tpu.memory_space<hbm>>
    tpu.enqueue_indirect_dma source(%dma_start3A_48 : memref<8192x128xf32, #tpu.memory_space<hbm>>) target(%dma_start3A_42 : memref<128x128xf32, #tpu.memory_space<vmem>>) offsets(%dma_start3A_45 : memref<128xi32, #tpu.memory_space<vmem>>) semaphore(%arg7 : memref<!tpu.dma_semaphore, #tpu.memory_space<semaphore_mem>>)
    %dma_start3A_49 = arith.constant 3 : i32
    %dma_start3A_50 = arith.constant 3 : i32
    %dma_start3A_51 = arith.constant 0 : i32
    %dma_start3A_52 = arith.constant 0 : i32
    %dma_start3A_53 = tpu.memref_slice %arg6[%dma_start3A_50, %dma_start3A_51, %dma_start3A_52] : memref<4x128x128xf32, #tpu.memory_space<vmem>> -> memref<1x128x128xf32, #tpu.memory_space<vmem>>
    %dma_start3A_54 = tpu.memref_squeeze %dma_start3A_53 : memref<1x128x128xf32, #tpu.memory_space<vmem>> -> memref<128x128xf32, #tpu.memory_space<vmem>>
    %dma_start3A_55 = arith.constant 0 : i32
    %dma_start3A_56 = tpu.memref_slice %arg5[%dma_start3A_49, %dma_start3A_55] : memref<4x128xi32, #tpu.memory_space<vmem>> -> memref<1x128xi32, #tpu.memory_space<vmem>>
    %dma_start3A_57 = tpu.memref_squeeze %dma_start3A_56 : memref<1x128xi32, #tpu.memory_space<vmem>> -> memref<128xi32, #tpu.memory_space<vmem>>
    %dma_start3A_58 = arith.constant 0 : i32
    %dma_start3A_59 = arith.constant 0 : i32
    %dma_start3A_60 = tpu.memref_slice %arg2[%dma_start3A_58, %dma_start3A_59] : memref<8192x128xf32, #tpu.memory_space<hbm>> -> memref<8192x128xf32, #tpu.memory_space<hbm>>
    tpu.enqueue_indirect_dma source(%dma_start3A_60 : memref<8192x128xf32, #tpu.memory_space<hbm>>) target(%dma_start3A_54 : memref<128x128xf32, #tpu.memory_space<vmem>>) offsets(%dma_start3A_57 : memref<128xi32, #tpu.memory_space<vmem>>) semaphore(%arg7 : memref<!tpu.dma_semaphore, #tpu.memory_space<semaphore_mem>>)
    %dma_wait3A = arith.constant 0 : i32
    %dma_wait3A_61 = arith.constant 0 : i32
    %dma_wait3A_62 = arith.constant 0 : i32
    %dma_wait3A_63 = arith.constant 0 : i32
    %dma_wait3A_64 = tpu.memref_slice %arg6[%dma_wait3A_61, %dma_wait3A_62, %dma_wait3A_63] : memref<4x128x128xf32, #tpu.memory_space<vmem>> -> memref<1x128x128xf32, #tpu.memory_space<vmem>>
    %dma_wait3A_65 = tpu.memref_squeeze %dma_wait3A_64 : memref<1x128x128xf32, #tpu.memory_space<vmem>> -> memref<128x128xf32, #tpu.memory_space<vmem>>
    %dma_wait3A_66 = arith.constant 0 : i32
    %dma_wait3A_67 = tpu.memref_slice %arg5[%dma_wait3A, %dma_wait3A_66] : memref<4x128xi32, #tpu.memory_space<vmem>> -> memref<1x128xi32, #tpu.memory_space<vmem>>
    %dma_wait3A_68 = tpu.memref_squeeze %dma_wait3A_67 : memref<1x128xi32, #tpu.memory_space<vmem>> -> memref<128xi32, #tpu.memory_space<vmem>>
    %dma_wait3A_69 = arith.constant 0 : i32
    %dma_wait3A_70 = arith.constant 0 : i32
    %dma_wait3A_71 = tpu.memref_slice %arg2[%dma_wait3A_69, %dma_wait3A_70] : memref<8192x128xf32, #tpu.memory_space<hbm>> -> memref<8192x128xf32, #tpu.memory_space<hbm>>
    tpu.wait_indirect_dma semaphore(%arg7 : memref<!tpu.dma_semaphore, #tpu.memory_space<semaphore_mem>>) src(%dma_wait3A_71 : memref<8192x128xf32, #tpu.memory_space<hbm>>) dst(%dma_wait3A_65 : memref<128x128xf32, #tpu.memory_space<vmem>>)
    %dma_wait3A_72 = arith.constant 1 : i32
    %dma_wait3A_73 = arith.constant 1 : i32
    %dma_wait3A_74 = arith.constant 0 : i32
    %dma_wait3A_75 = arith.constant 0 : i32
    %dma_wait3A_76 = tpu.memref_slice %arg6[%dma_wait3A_73, %dma_wait3A_74, %dma_wait3A_75] : memref<4x128x128xf32, #tpu.memory_space<vmem>> -> memref<1x128x128xf32, #tpu.memory_space<vmem>>
    %dma_wait3A_77 = tpu.memref_squeeze %dma_wait3A_76 : memref<1x128x128xf32, #tpu.memory_space<vmem>> -> memref<128x128xf32, #tpu.memory_space<vmem>>
    %dma_wait3A_78 = arith.constant 0 : i32
    %dma_wait3A_79 = tpu.memref_slice %arg5[%dma_wait3A_72, %dma_wait3A_78] : memref<4x128xi32, #tpu.memory_space<vmem>> -> memref<1x128xi32, #tpu.memory_space<vmem>>
    %dma_wait3A_80 = tpu.memref_squeeze %dma_wait3A_79 : memref<1x128xi32, #tpu.memory_space<vmem>> -> memref<128xi32, #tpu.memory_space<vmem>>
    %dma_wait3A_81 = arith.constant 0 : i32
    %dma_wait3A_82 = arith.constant 0 : i32
    %dma_wait3A_83 = tpu.memref_slice %arg2[%dma_wait3A_81, %dma_wait3A_82] : memref<8192x128xf32, #tpu.memory_space<hbm>> -> memref<8192x128xf32, #tpu.memory_space<hbm>>
    tpu.wait_indirect_dma semaphore(%arg7 : memref<!tpu.dma_semaphore, #tpu.memory_space<semaphore_mem>>) src(%dma_wait3A_83 : memref<8192x128xf32, #tpu.memory_space<hbm>>) dst(%dma_wait3A_77 : memref<128x128xf32, #tpu.memory_space<vmem>>)
    %dma_wait3A_84 = arith.constant 2 : i32
    %dma_wait3A_85 = arith.constant 2 : i32
    %dma_wait3A_86 = arith.constant 0 : i32
    %dma_wait3A_87 = arith.constant 0 : i32
    %dma_wait3A_88 = tpu.memref_slice %arg6[%dma_wait3A_85, %dma_wait3A_86, %dma_wait3A_87] : memref<4x128x128xf32, #tpu.memory_space<vmem>> -> memref<1x128x128xf32, #tpu.memory_space<vmem>>
    %dma_wait3A_89 = tpu.memref_squeeze %dma_wait3A_88 : memref<1x128x128xf32, #tpu.memory_space<vmem>> -> memref<128x128xf32, #tpu.memory_space<vmem>>
    %dma_wait3A_90 = arith.constant 0 : i32
    %dma_wait3A_91 = tpu.memref_slice %arg5[%dma_wait3A_84, %dma_wait3A_90] : memref<4x128xi32, #tpu.memory_space<vmem>> -> memref<1x128xi32, #tpu.memory_space<vmem>>
    %dma_wait3A_92 = tpu.memref_squeeze %dma_wait3A_91 : memref<1x128xi32, #tpu.memory_space<vmem>> -> memref<128xi32, #tpu.memory_space<vmem>>
    %dma_wait3A_93 = arith.constant 0 : i32
    %dma_wait3A_94 = arith.constant 0 : i32
    %dma_wait3A_95 = tpu.memref_slice %arg2[%dma_wait3A_93, %dma_wait3A_94] : memref<8192x128xf32, #tpu.memory_space<hbm>> -> memref<8192x128xf32, #tpu.memory_space<hbm>>
    tpu.wait_indirect_dma semaphore(%arg7 : memref<!tpu.dma_semaphore, #tpu.memory_space<semaphore_mem>>) src(%dma_wait3A_95 : memref<8192x128xf32, #tpu.memory_space<hbm>>) dst(%dma_wait3A_89 : memref<128x128xf32, #tpu.memory_space<vmem>>)
    %dma_wait3A_96 = arith.constant 3 : i32
    %dma_wait3A_97 = arith.constant 3 : i32
    %dma_wait3A_98 = arith.constant 0 : i32
    %dma_wait3A_99 = arith.constant 0 : i32
    %dma_wait3A_100 = tpu.memref_slice %arg6[%dma_wait3A_97, %dma_wait3A_98, %dma_wait3A_99] : memref<4x128x128xf32, #tpu.memory_space<vmem>> -> memref<1x128x128xf32, #tpu.memory_space<vmem>>
    %dma_wait3A_101 = tpu.memref_squeeze %dma_wait3A_100 : memref<1x128x128xf32, #tpu.memory_space<vmem>> -> memref<128x128xf32, #tpu.memory_space<vmem>>
    %dma_wait3A_102 = arith.constant 0 : i32
    %dma_wait3A_103 = tpu.memref_slice %arg5[%dma_wait3A_96, %dma_wait3A_102] : memref<4x128xi32, #tpu.memory_space<vmem>> -> memref<1x128xi32, #tpu.memory_space<vmem>>
    %dma_wait3A_104 = tpu.memref_squeeze %dma_wait3A_103 : memref<1x128xi32, #tpu.memory_space<vmem>> -> memref<128xi32, #tpu.memory_space<vmem>>
    %dma_wait3A_105 = arith.constant 0 : i32
    %dma_wait3A_106 = arith.constant 0 : i32
    %dma_wait3A_107 = tpu.memref_slice %arg2[%dma_wait3A_105, %dma_wait3A_106] : memref<8192x128xf32, #tpu.memory_space<hbm>> -> memref<8192x128xf32, #tpu.memory_space<hbm>>
    tpu.wait_indirect_dma semaphore(%arg7 : memref<!tpu.dma_semaphore, #tpu.memory_space<semaphore_mem>>) src(%dma_wait3A_107 : memref<8192x128xf32, #tpu.memory_space<hbm>>) dst(%dma_wait3A_101 : memref<128x128xf32, #tpu.memory_space<vmem>>)
    %add3A_108 = arith.constant 0 : i32
    %add3A_109 = arith.addi %mul3A_2, %add3A_108 : i32
    %run_scoped3A_110 = arith.constant 0 : i32
    "tpu.region"() ({
      %run_scoped3A_120 = tpu.sem_alloc : memref<!tpu.dma_semaphore, #tpu.memory_space<semaphore_mem>>
      %dma_start3A_121 = arith.constant 0 : i32
      %dma_start3A_122 = arith.constant 0 : i32
      %dma_start3A_123 = tpu.memref_slice %arg6[%run_scoped3A_110, %dma_start3A_121, %dma_start3A_122] : memref<4x128x128xf32, #tpu.memory_space<vmem>> -> memref<1x128x128xf32, #tpu.memory_space<vmem>>
      %dma_start3A_124 = tpu.memref_squeeze %dma_start3A_123 : memref<1x128x128xf32, #tpu.memory_space<vmem>> -> memref<128x128xf32, #tpu.memory_space<vmem>>
      %dma_start3A_125 = arith.constant 0 : i32
      %dma_start3A_126 = tpu.memref_slice %arg4[%add3A_109, %dma_start3A_125] : memref<16384x128xf32, #tpu.memory_space<hbm>> -> memref<128x128xf32, #tpu.memory_space<hbm>>
      %dma_start3A_127 = arith.constant 0 : i32
      %dma_start3A_128 = tpu.memref_slice %arg4[%add3A_109, %dma_start3A_127] : memref<16384x128xf32, #tpu.memory_space<hbm>> -> memref<128x128xf32, #tpu.memory_space<hbm>>
      %dma_start3A_129 = arith.constant 0 : i32
      %dma_start3A_130 = arith.constant 0 : i32
      %dma_start3A_131 = tpu.memref_slice %arg6[%run_scoped3A_110, %dma_start3A_129, %dma_start3A_130] : memref<4x128x128xf32, #tpu.memory_space<vmem>> -> memref<1x128x128xf32, #tpu.memory_space<vmem>>
      %dma_start3A_132 = tpu.memref_squeeze %dma_start3A_131 : memref<1x128x128xf32, #tpu.memory_space<vmem>> -> memref<128x128xf32, #tpu.memory_space<vmem>>
      tpu.enqueue_dma source(%dma_start3A_132 : memref<128x128xf32, #tpu.memory_space<vmem>>) target(%dma_start3A_128 : memref<128x128xf32, #tpu.memory_space<hbm>>) target_semaphore(%run_scoped3A_120 : memref<!tpu.dma_semaphore, #tpu.memory_space<semaphore_mem>>)
      %dma_wait3A_133 = arith.constant 0 : i32
      %dma_wait3A_134 = arith.constant 0 : i32
      %dma_wait3A_135 = tpu.memref_slice %arg6[%run_scoped3A_110, %dma_wait3A_133, %dma_wait3A_134] : memref<4x128x128xf32, #tpu.memory_space<vmem>> -> memref<1x128x128xf32, #tpu.memory_space<vmem>>
      %dma_wait3A_136 = tpu.memref_squeeze %dma_wait3A_135 : memref<1x128x128xf32, #tpu.memory_space<vmem>> -> memref<128x128xf32, #tpu.memory_space<vmem>>
      %dma_wait3A_137 = arith.constant 0 : i32
      %dma_wait3A_138 = tpu.memref_slice %arg4[%add3A_109, %dma_wait3A_137] : memref<16384x128xf32, #tpu.memory_space<hbm>> -> memref<128x128xf32, #tpu.memory_space<hbm>>
      %dma_wait3A_139 = arith.constant 0 : i32
      %dma_wait3A_140 = tpu.memref_slice %arg4[%add3A_109, %dma_wait3A_139] : memref<16384x128xf32, #tpu.memory_space<hbm>> -> memref<128x128xf32, #tpu.memory_space<hbm>>
      %dma_wait3A_141 = arith.constant 0 : i32
      %dma_wait3A_142 = arith.constant 0 : i32
      %dma_wait3A_143 = tpu.memref_slice %arg6[%run_scoped3A_110, %dma_wait3A_141, %dma_wait3A_142] : memref<4x128x128xf32, #tpu.memory_space<vmem>> -> memref<1x128x128xf32, #tpu.memory_space<vmem>>
      %dma_wait3A_144 = tpu.memref_squeeze %dma_wait3A_143 : memref<1x128x128xf32, #tpu.memory_space<vmem>> -> memref<128x128xf32, #tpu.memory_space<vmem>>
      tpu.wait_dma2 semaphore(%run_scoped3A_120 : memref<!tpu.dma_semaphore, #tpu.memory_space<semaphore_mem>>) src(%dma_wait3A_144 : memref<128x128xf32, #tpu.memory_space<vmem>>) dst(%dma_wait3A_140 : memref<128x128xf32, #tpu.memory_space<hbm>>)
      tpu.yield
    }) : () -> ()
    %add3A_111 = arith.constant 128 : i32
    %add3A_112 = arith.addi %mul3A_2, %add3A_111 : i32
    %run_scoped3A_113 = arith.constant 1 : i32
    "tpu.region"() ({
      %run_scoped3A_120 = tpu.sem_alloc : memref<!tpu.dma_semaphore, #tpu.memory_space<semaphore_mem>>
      %dma_start3A_121 = arith.constant 0 : i32
      %dma_start3A_122 = arith.constant 0 : i32
      %dma_start3A_123 = tpu.memref_slice %arg6[%run_scoped3A_113, %dma_start3A_121, %dma_start3A_122] : memref<4x128x128xf32, #tpu.memory_space<vmem>> -> memref<1x128x128xf32, #tpu.memory_space<vmem>>
      %dma_start3A_124 = tpu.memref_squeeze %dma_start3A_123 : memref<1x128x128xf32, #tpu.memory_space<vmem>> -> memref<128x128xf32, #tpu.memory_space<vmem>>
      %dma_start3A_125 = arith.constant 0 : i32
      %dma_start3A_126 = tpu.memref_slice %arg4[%add3A_112, %dma_start3A_125] : memref<16384x128xf32, #tpu.memory_space<hbm>> -> memref<128x128xf32, #tpu.memory_space<hbm>>
      %dma_start3A_127 = arith.constant 0 : i32
      %dma_start3A_128 = tpu.memref_slice %arg4[%add3A_112, %dma_start3A_127] : memref<16384x128xf32, #tpu.memory_space<hbm>> -> memref<128x128xf32, #tpu.memory_space<hbm>>
      %dma_start3A_129 = arith.constant 0 : i32
      %dma_start3A_130 = arith.constant 0 : i32
      %dma_start3A_131 = tpu.memref_slice %arg6[%run_scoped3A_113, %dma_start3A_129, %dma_start3A_130] : memref<4x128x128xf32, #tpu.memory_space<vmem>> -> memref<1x128x128xf32, #tpu.memory_space<vmem>>
      %dma_start3A_132 = tpu.memref_squeeze %dma_start3A_131 : memref<1x128x128xf32, #tpu.memory_space<vmem>> -> memref<128x128xf32, #tpu.memory_space<vmem>>
      tpu.enqueue_dma source(%dma_start3A_132 : memref<128x128xf32, #tpu.memory_space<vmem>>) target(%dma_start3A_128 : memref<128x128xf32, #tpu.memory_space<hbm>>) target_semaphore(%run_scoped3A_120 : memref<!tpu.dma_semaphore, #tpu.memory_space<semaphore_mem>>)
      %dma_wait3A_133 = arith.constant 0 : i32
      %dma_wait3A_134 = arith.constant 0 : i32
      %dma_wait3A_135 = tpu.memref_slice %arg6[%run_scoped3A_113, %dma_wait3A_133, %dma_wait3A_134] : memref<4x128x128xf32, #tpu.memory_space<vmem>> -> memref<1x128x128xf32, #tpu.memory_space<vmem>>
      %dma_wait3A_136 = tpu.memref_squeeze %dma_wait3A_135 : memref<1x128x128xf32, #tpu.memory_space<vmem>> -> memref<128x128xf32, #tpu.memory_space<vmem>>
      %dma_wait3A_137 = arith.constant 0 : i32
      %dma_wait3A_138 = tpu.memref_slice %arg4[%add3A_112, %dma_wait3A_137] : memref<16384x128xf32, #tpu.memory_space<hbm>> -> memref<128x128xf32, #tpu.memory_space<hbm>>
      %dma_wait3A_139 = arith.constant 0 : i32
      %dma_wait3A_140 = tpu.memref_slice %arg4[%add3A_112, %dma_wait3A_139] : memref<16384x128xf32, #tpu.memory_space<hbm>> -> memref<128x128xf32, #tpu.memory_space<hbm>>
      %dma_wait3A_141 = arith.constant 0 : i32
      %dma_wait3A_142 = arith.constant 0 : i32
      %dma_wait3A_143 = tpu.memref_slice %arg6[%run_scoped3A_113, %dma_wait3A_141, %dma_wait3A_142] : memref<4x128x128xf32, #tpu.memory_space<vmem>> -> memref<1x128x128xf32, #tpu.memory_space<vmem>>
      %dma_wait3A_144 = tpu.memref_squeeze %dma_wait3A_143 : memref<1x128x128xf32, #tpu.memory_space<vmem>> -> memref<128x128xf32, #tpu.memory_space<vmem>>
      tpu.wait_dma2 semaphore(%run_scoped3A_120 : memref<!tpu.dma_semaphore, #tpu.memory_space<semaphore_mem>>) src(%dma_wait3A_144 : memref<128x128xf32, #tpu.memory_space<vmem>>) dst(%dma_wait3A_140 : memref<128x128xf32, #tpu.memory_space<hbm>>)
      tpu.yield
    }) : () -> ()
    %add3A_114 = arith.constant 256 : i32
    %add3A_115 = arith.addi %mul3A_2, %add3A_114 : i32
    %run_scoped3A_116 = arith.constant 2 : i32
    "tpu.region"() ({
      %run_scoped3A_120 = tpu.sem_alloc : memref<!tpu.dma_semaphore, #tpu.memory_space<semaphore_mem>>
      %dma_start3A_121 = arith.constant 0 : i32
      %dma_start3A_122 = arith.constant 0 : i32
      %dma_start3A_123 = tpu.memref_slice %arg6[%run_scoped3A_116, %dma_start3A_121, %dma_start3A_122] : memref<4x128x128xf32, #tpu.memory_space<vmem>> -> memref<1x128x128xf32, #tpu.memory_space<vmem>>
      %dma_start3A_124 = tpu.memref_squeeze %dma_start3A_123 : memref<1x128x128xf32, #tpu.memory_space<vmem>> -> memref<128x128xf32, #tpu.memory_space<vmem>>
      %dma_start3A_125 = arith.constant 0 : i32
      %dma_start3A_126 = tpu.memref_slice %arg4[%add3A_115, %dma_start3A_125] : memref<16384x128xf32, #tpu.memory_space<hbm>> -> memref<128x128xf32, #tpu.memory_space<hbm>>
      %dma_start3A_127 = arith.constant 0 : i32
      %dma_start3A_128 = tpu.memref_slice %arg4[%add3A_115, %dma_start3A_127] : memref<16384x128xf32, #tpu.memory_space<hbm>> -> memref<128x128xf32, #tpu.memory_space<hbm>>
      %dma_start3A_129 = arith.constant 0 : i32
      %dma_start3A_130 = arith.constant 0 : i32
      %dma_start3A_131 = tpu.memref_slice %arg6[%run_scoped3A_116, %dma_start3A_129, %dma_start3A_130] : memref<4x128x128xf32, #tpu.memory_space<vmem>> -> memref<1x128x128xf32, #tpu.memory_space<vmem>>
      %dma_start3A_132 = tpu.memref_squeeze %dma_start3A_131 : memref<1x128x128xf32, #tpu.memory_space<vmem>> -> memref<128x128xf32, #tpu.memory_space<vmem>>
      tpu.enqueue_dma source(%dma_start3A_132 : memref<128x128xf32, #tpu.memory_space<vmem>>) target(%dma_start3A_128 : memref<128x128xf32, #tpu.memory_space<hbm>>) target_semaphore(%run_scoped3A_120 : memref<!tpu.dma_semaphore, #tpu.memory_space<semaphore_mem>>)
      %dma_wait3A_133 = arith.constant 0 : i32
      %dma_wait3A_134 = arith.constant 0 : i32
      %dma_wait3A_135 = tpu.memref_slice %arg6[%run_scoped3A_116, %dma_wait3A_133, %dma_wait3A_134] : memref<4x128x128xf32, #tpu.memory_space<vmem>> -> memref<1x128x128xf32, #tpu.memory_space<vmem>>
      %dma_wait3A_136 = tpu.memref_squeeze %dma_wait3A_135 : memref<1x128x128xf32, #tpu.memory_space<vmem>> -> memref<128x128xf32, #tpu.memory_space<vmem>>
      %dma_wait3A_137 = arith.constant 0 : i32
      %dma_wait3A_138 = tpu.memref_slice %arg4[%add3A_115, %dma_wait3A_137] : memref<16384x128xf32, #tpu.memory_space<hbm>> -> memref<128x128xf32, #tpu.memory_space<hbm>>
      %dma_wait3A_139 = arith.constant 0 : i32
      %dma_wait3A_140 = tpu.memref_slice %arg4[%add3A_115, %dma_wait3A_139] : memref<16384x128xf32, #tpu.memory_space<hbm>> -> memref<128x128xf32, #tpu.memory_space<hbm>>
      %dma_wait3A_141 = arith.constant 0 : i32
      %dma_wait3A_142 = arith.constant 0 : i32
      %dma_wait3A_143 = tpu.memref_slice %arg6[%run_scoped3A_116, %dma_wait3A_141, %dma_wait3A_142] : memref<4x128x128xf32, #tpu.memory_space<vmem>> -> memref<1x128x128xf32, #tpu.memory_space<vmem>>
      %dma_wait3A_144 = tpu.memref_squeeze %dma_wait3A_143 : memref<1x128x128xf32, #tpu.memory_space<vmem>> -> memref<128x128xf32, #tpu.memory_space<vmem>>
      tpu.wait_dma2 semaphore(%run_scoped3A_120 : memref<!tpu.dma_semaphore, #tpu.memory_space<semaphore_mem>>) src(%dma_wait3A_144 : memref<128x128xf32, #tpu.memory_space<vmem>>) dst(%dma_wait3A_140 : memref<128x128xf32, #tpu.memory_space<hbm>>)
      tpu.yield
    }) : () -> ()
    %add3A_117 = arith.constant 384 : i32
    %add3A_118 = arith.addi %mul3A_2, %add3A_117 : i32
    %run_scoped3A_119 = arith.constant 3 : i32
    "tpu.region"() ({
      %run_scoped3A_120 = tpu.sem_alloc : memref<!tpu.dma_semaphore, #tpu.memory_space<semaphore_mem>>
      %dma_start3A_121 = arith.constant 0 : i32
      %dma_start3A_122 = arith.constant 0 : i32
      %dma_start3A_123 = tpu.memref_slice %arg6[%run_scoped3A_119, %dma_start3A_121, %dma_start3A_122] : memref<4x128x128xf32, #tpu.memory_space<vmem>> -> memref<1x128x128xf32, #tpu.memory_space<vmem>>
      %dma_start3A_124 = tpu.memref_squeeze %dma_start3A_123 : memref<1x128x128xf32, #tpu.memory_space<vmem>> -> memref<128x128xf32, #tpu.memory_space<vmem>>
      %dma_start3A_125 = arith.constant 0 : i32
      %dma_start3A_126 = tpu.memref_slice %arg4[%add3A_118, %dma_start3A_125] : memref<16384x128xf32, #tpu.memory_space<hbm>> -> memref<128x128xf32, #tpu.memory_space<hbm>>
      %dma_start3A_127 = arith.constant 0 : i32
      %dma_start3A_128 = tpu.memref_slice %arg4[%add3A_118, %dma_start3A_127] : memref<16384x128xf32, #tpu.memory_space<hbm>> -> memref<128x128xf32, #tpu.memory_space<hbm>>
      %dma_start3A_129 = arith.constant 0 : i32
      %dma_start3A_130 = arith.constant 0 : i32
      %dma_start3A_131 = tpu.memref_slice %arg6[%run_scoped3A_119, %dma_start3A_129, %dma_start3A_130] : memref<4x128x128xf32, #tpu.memory_space<vmem>> -> memref<1x128x128xf32, #tpu.memory_space<vmem>>
      %dma_start3A_132 = tpu.memref_squeeze %dma_start3A_131 : memref<1x128x128xf32, #tpu.memory_space<vmem>> -> memref<128x128xf32, #tpu.memory_space<vmem>>
      tpu.enqueue_dma source(%dma_start3A_132 : memref<128x128xf32, #tpu.memory_space<vmem>>) target(%dma_start3A_128 : memref<128x128xf32, #tpu.memory_space<hbm>>) target_semaphore(%run_scoped3A_120 : memref<!tpu.dma_semaphore, #tpu.memory_space<semaphore_mem>>)
      %dma_wait3A_133 = arith.constant 0 : i32
      %dma_wait3A_134 = arith.constant 0 : i32
      %dma_wait3A_135 = tpu.memref_slice %arg6[%run_scoped3A_119, %dma_wait3A_133, %dma_wait3A_134] : memref<4x128x128xf32, #tpu.memory_space<vmem>> -> memref<1x128x128xf32, #tpu.memory_space<vmem>>
      %dma_wait3A_136 = tpu.memref_squeeze %dma_wait3A_135 : memref<1x128x128xf32, #tpu.memory_space<vmem>> -> memref<128x128xf32, #tpu.memory_space<vmem>>
      %dma_wait3A_137 = arith.constant 0 : i32
      %dma_wait3A_138 = tpu.memref_slice %arg4[%add3A_118, %dma_wait3A_137] : memref<16384x128xf32, #tpu.memory_space<hbm>> -> memref<128x128xf32, #tpu.memory_space<hbm>>
      %dma_wait3A_139 = arith.constant 0 : i32
      %dma_wait3A_140 = tpu.memref_slice %arg4[%add3A_118, %dma_wait3A_139] : memref<16384x128xf32, #tpu.memory_space<hbm>> -> memref<128x128xf32, #tpu.memory_space<hbm>>
      %dma_wait3A_141 = arith.constant 0 : i32
      %dma_wait3A_142 = arith.constant 0 : i32
      %dma_wait3A_143 = tpu.memref_slice %arg6[%run_scoped3A_119, %dma_wait3A_141, %dma_wait3A_142] : memref<4x128x128xf32, #tpu.memory_space<vmem>> -> memref<1x128x128xf32, #tpu.memory_space<vmem>>
      %dma_wait3A_144 = tpu.memref_squeeze %dma_wait3A_143 : memref<1x128x128xf32, #tpu.memory_space<vmem>> -> memref<128x128xf32, #tpu.memory_space<vmem>>
      tpu.wait_dma2 semaphore(%run_scoped3A_120 : memref<!tpu.dma_semaphore, #tpu.memory_space<semaphore_mem>>) src(%dma_wait3A_144 : memref<128x128xf32, #tpu.memory_space<vmem>>) dst(%dma_wait3A_140 : memref<128x128xf32, #tpu.memory_space<hbm>>)
      tpu.yield
    }) : () -> ()
    return
  }
}

module attributes {stable_mosaic.version = 14 : i64} {
  func.func @_argmin_body(%arg0: i32, %arg1: i32, %arg2: memref<4096x64xf32, #tpu.memory_space<vmem>>, %arg3: memref<4096x64xf32, #tpu.memory_space<vmem>>, %arg4: memref<1x1x4096xi32, #tpu.memory_space<vmem>>, %arg5: memref<1x1xf32, #tpu.memory_space<vmem>>, %arg6: memref<16384xf32, #tpu.memory_space<vmem>>, %arg7: memref<16384xi32, #tpu.memory_space<vmem>>, %arg8: memref<16384xf32, #tpu.memory_space<vmem>>, %arg9: memref<4096x1xf32, #tpu.memory_space<vmem>>, %arg10: memref<16384xf32, #tpu.memory_space<vmem>>) attributes {dimension_semantics = [#tpu.dimension_semantics<arbitrary>, #tpu.dimension_semantics<arbitrary>], iteration_bounds = array<i64: 2, 4>, scalar_prefetch = 0 : i64, scratch_operands = 5 : i64, tpu.core_type = #tpu.core_type<tc>, window_params = [{transform_indices = @transform_0, window_bounds = array<i64: 4096, 64>}, {transform_indices = @transform_1, window_bounds = array<i64: 4096, 64>}, {transform_indices = @transform_2, window_bounds = array<i64: 1, 1, 4096>}, {pipeline_mode = #tpu.pipeline_mode<synchronous>, transform_indices = @transform_3, window_bounds = array<i64: 1, 1>}]} {
    %get3A = arith.constant 0 : index
    %get3A_0 = arith.constant 0 : index
    %get3A_1 = vector.load %arg2[%get3A, %get3A_0] : memref<4096x64xf32, #tpu.memory_space<vmem>>, vector<4096x64xf32>
    %get3A_2 = arith.constant 0 : index
    %get3A_3 = arith.constant 0 : index
    %get3A_4 = vector.load %arg3[%get3A_2, %get3A_3] : memref<4096x64xf32, #tpu.memory_space<vmem>>, vector<4096x64xf32>
    %mul3A = arith.constant 4096 : i32
    %mul3A_5 = arith.muli %arg1, %mul3A : i32
    %eq3A = arith.constant 0 : i32
    %eq3A_6 = arith.cmpi eq, %arg1, %eq3A : i32
    %convert_element_type3A = arith.extui %eq3A_6 : i1 to i32
    %cond3A = arith.constant 0 : i32
    %cond3A_7 = arith.cmpi ne, %convert_element_type3A, %cond3A : i32
    scf.if %cond3A_7 {
      %transpose3A = tpu.transpose %get3A_4, [1, 0] : vector<4096x64xf32> -> vector<64x4096xf32>
      %mul3A_58 = arith.mulf %transpose3A, %transpose3A : vector<64x4096xf32>
      %reduce_sum3A = arith.constant dense<0.000000e+00> : vector<4096xf32>
      %reduce_sum3A_59 = vector.multi_reduction <add>, %mul3A_58, %reduce_sum3A [0] : vector<64x4096xf32> to vector<4096xf32>
      %broadcast_in_dim3A_60 = vector.shape_cast %reduce_sum3A_59 : vector<4096xf32> to vector<1x4096xf32>
      %transpose3A_61 = tpu.transpose %broadcast_in_dim3A_60, [1, 0] : vector<1x4096xf32> -> vector<4096x1xf32>
      %swap3A_62 = arith.constant 0 : index
      %swap3A_63 = arith.constant 0 : index
      %swap3A_64 = vector.load %arg9[%swap3A_62, %swap3A_63] : memref<4096x1xf32, #tpu.memory_space<vmem>>, vector<4096x1xf32>
      tpu.vector_store %arg9[%swap3A_62, %swap3A_63], %transpose3A_61 {strides = array<i32>} : memref<4096x1xf32, #tpu.memory_space<vmem>>, vector<4096x1xf32>,
    } else {
    }
    %eq3A_8 = arith.constant 0 : i32
    %eq3A_9 = arith.cmpi eq, %arg0, %eq3A_8 : i32
    %convert_element_type3A_10 = arith.extui %eq3A_9 : i1 to i32
    %cond3A_11 = arith.constant 0 : i32
    %cond3A_12 = arith.cmpi ne, %convert_element_type3A_10, %cond3A_11 : i32
    scf.if %cond3A_12 {
      %transpose3A = tpu.transpose %get3A_1, [1, 0] : vector<4096x64xf32> -> vector<64x4096xf32>
      %mul3A_58 = arith.mulf %transpose3A, %transpose3A : vector<64x4096xf32>
      %reduce_sum3A = arith.constant dense<0.000000e+00> : vector<4096xf32>
      %reduce_sum3A_59 = vector.multi_reduction <add>, %mul3A_58, %reduce_sum3A [0] : vector<64x4096xf32> to vector<4096xf32>
      %swap3A_60 = arith.index_cast %mul3A_5 : i32 to index
      %swap3A_61 = vector.load %arg10[%swap3A_60] : memref<16384xf32, #tpu.memory_space<vmem>>, vector<4096xf32>
      tpu.vector_store %arg10[%swap3A_60], %reduce_sum3A_59 {strides = array<i32>} : memref<16384xf32, #tpu.memory_space<vmem>>, vector<4096xf32>,
    } else {
    }
    %get3A_13 = arith.index_cast %mul3A_5 : i32 to index
    %get3A_14 = vector.load %arg10[%get3A_13] : memref<16384xf32, #tpu.memory_space<vmem>>, vector<4096xf32>
    %broadcast_in_dim3A = vector.shape_cast %get3A_14 : vector<4096xf32> to vector<1x4096xf32>
    %get3A_15 = arith.constant 0 : index
    %get3A_16 = arith.constant 0 : index
    %get3A_17 = vector.load %arg9[%get3A_15, %get3A_16] : memref<4096x1xf32, #tpu.memory_space<vmem>>, vector<4096x1xf32>
    %dot_general3A = arith.constant dense<0.000000e+00> : vector<4096x4096xf32>
    %dot_general3A_18 = tpu.matmul %get3A_4, %get3A_1, %dot_general3A {dimension_numbers = #tpu.dot_dimension_numbers<[1], [1], [0], [0], [0, 0, 1, 0], [], []>, transpose_lhs_hint = false} : vector<4096x64xf32>, vector<4096x64xf32>, vector<4096x4096xf32> -> vector<4096x4096xf32>
    %add3A = vector.broadcast %get3A_17 : vector<4096x1xf32> to vector<4096x4096xf32>
    %add3A_19 = vector.broadcast %broadcast_in_dim3A : vector<1x4096xf32> to vector<4096x4096xf32>
    %add3A_20 = arith.addf %add3A, %add3A_19 : vector<4096x4096xf32>
    %mul3A_21 = arith.constant 2.000000e+00 : f32
    %mul3A_22 = vector.broadcast %mul3A_21 : f32 to vector<4096x4096xf32>
    %mul3A_23 = arith.mulf %mul3A_22, %dot_general3A_18 : vector<4096x4096xf32>
    %sub3A = arith.subf %add3A_20, %mul3A_23 : vector<4096x4096xf32>
    %reduce_min3A = arith.constant dense<0x7F800000> : vector<4096xf32>
    %reduce_min3A_24 = vector.multi_reduction <minimumf>, %sub3A, %reduce_min3A [0] : vector<4096x4096xf32> to vector<4096xf32>
    %iota3A = tpu.iota {dimensions = array<i32: 0>} : vector<4096x4096xi32>
    %broadcast_in_dim3A_25 = vector.shape_cast %reduce_min3A_24 : vector<4096xf32> to vector<1x4096xf32>
    %eq3A_26 = vector.broadcast %broadcast_in_dim3A_25 : vector<1x4096xf32> to vector<4096x4096xf32>
    %eq3A_27 = arith.cmpf oeq, %sub3A, %eq3A_26 : vector<4096x4096xf32>
    %jit3A = arith.constant 4096 : i32
    %broadcast_in_dim3A_28 = vector.broadcast %jit3A : i32 to vector<4096x4096xi32>
    %select_n3A = arith.select %eq3A_27, %iota3A, %broadcast_in_dim3A_28 : vector<4096x4096xi1>, vector<4096x4096xi32>
    %reduce_min3A_29 = arith.constant dense<2147483647> : vector<4096xi32>
    %reduce_min3A_30 = vector.multi_reduction <minsi>, %select_n3A, %reduce_min3A_29 [0] : vector<4096x4096xi32> to vector<4096xi32>
    %mul3A_31 = arith.constant 4096 : i32
    %mul3A_32 = arith.muli %arg0, %mul3A_31 : i32
    %add3A_33 = vector.broadcast %mul3A_32 : i32 to vector<4096xi32>
    %add3A_34 = arith.addi %reduce_min3A_30, %add3A_33 : vector<4096xi32>
    %convert_element_type3A_35 = arith.truncf %reduce_min3A_24 : vector<4096xf32> to vector<4096xbf16>
    %convert_element_type3A_36 = arith.extf %convert_element_type3A_35 : vector<4096xbf16> to vector<4096xf32>
    %eq3A_37 = arith.constant 0 : i32
    %eq3A_38 = arith.cmpi eq, %arg0, %eq3A_37 : i32
    %convert_element_type3A_39 = arith.extui %eq3A_38 : i1 to i32
    %cond3A_40 = arith.constant 0 : i32
    %cond3A_41 = arith.cmpi ne, %convert_element_type3A_39, %cond3A_40 : i32
    scf.if %cond3A_41 {
      %swap3A_58 = arith.index_cast %mul3A_5 : i32 to index
      %swap3A_59 = vector.load %arg6[%swap3A_58] : memref<16384xf32, #tpu.memory_space<vmem>>, vector<4096xf32>
      tpu.vector_store %arg6[%swap3A_58], %convert_element_type3A_36 {strides = array<i32>} : memref<16384xf32, #tpu.memory_space<vmem>>, vector<4096xf32>,
      %swap3A_60 = arith.index_cast %mul3A_5 : i32 to index
      %swap3A_61 = vector.load %arg7[%swap3A_60] : memref<16384xi32, #tpu.memory_space<vmem>>, vector<4096xi32>
      tpu.vector_store %arg7[%swap3A_60], %add3A_34 {strides = array<i32>} : memref<16384xi32, #tpu.memory_space<vmem>>, vector<4096xi32>,
      %swap3A_62 = arith.index_cast %mul3A_5 : i32 to index
      %swap3A_63 = vector.load %arg8[%swap3A_62] : memref<16384xf32, #tpu.memory_space<vmem>>, vector<4096xf32>
      tpu.vector_store %arg8[%swap3A_62], %reduce_min3A_24 {strides = array<i32>} : memref<16384xf32, #tpu.memory_space<vmem>>, vector<4096xf32>,
    } else {
    }
    %gt3A = arith.constant 0 : i32
    %gt3A_42 = arith.cmpi sgt, %arg0, %gt3A : i32
    %convert_element_type3A_43 = arith.extui %gt3A_42 : i1 to i32
    %cond3A_44 = arith.constant 0 : i32
    %cond3A_45 = arith.cmpi ne, %convert_element_type3A_43, %cond3A_44 : i32
    scf.if %cond3A_45 {
      %get3A_58 = arith.index_cast %mul3A_5 : i32 to index
      %get3A_59 = vector.load %arg6[%get3A_58] : memref<16384xf32, #tpu.memory_space<vmem>>, vector<4096xf32>
      %get3A_60 = arith.index_cast %mul3A_5 : i32 to index
      %get3A_61 = vector.load %arg7[%get3A_60] : memref<16384xi32, #tpu.memory_space<vmem>>, vector<4096xi32>
      %lt3A = arith.cmpf olt, %get3A_59, %reduce_min3A_24 : vector<4096xf32>
      %eq3A_62 = arith.cmpf oeq, %get3A_59, %reduce_min3A_24 : vector<4096xf32>
      %lt3A_63 = arith.cmpi slt, %get3A_61, %add3A_34 : vector<4096xi32>
      %and3A = arith.andi %eq3A_62, %lt3A_63 : vector<4096xi1>
      %or3A = arith.ori %lt3A, %and3A : vector<4096xi1>
      %select_n3A_64 = arith.select %or3A, %get3A_59, %convert_element_type3A_36 : vector<4096xi1>, vector<4096xf32>
      %swap3A_65 = arith.index_cast %mul3A_5 : i32 to index
      %swap3A_66 = vector.load %arg6[%swap3A_65] : memref<16384xf32, #tpu.memory_space<vmem>>, vector<4096xf32>
      tpu.vector_store %arg6[%swap3A_65], %select_n3A_64 {strides = array<i32>} : memref<16384xf32, #tpu.memory_space<vmem>>, vector<4096xf32>,
      %select_n3A_67 = arith.select %or3A, %get3A_61, %add3A_34 : vector<4096xi1>, vector<4096xi32>
      %swap3A_68 = arith.index_cast %mul3A_5 : i32 to index
      %swap3A_69 = vector.load %arg7[%swap3A_68] : memref<16384xi32, #tpu.memory_space<vmem>>, vector<4096xi32>
      tpu.vector_store %arg7[%swap3A_68], %select_n3A_67 {strides = array<i32>} : memref<16384xi32, #tpu.memory_space<vmem>>, vector<4096xi32>,
      %get3A_70 = arith.index_cast %mul3A_5 : i32 to index
      %get3A_71 = vector.load %arg8[%get3A_70] : memref<16384xf32, #tpu.memory_space<vmem>>, vector<4096xf32>
      %min3A = arith.minimumf %get3A_71, %reduce_min3A_24 : vector<4096xf32>
      %swap3A_72 = arith.index_cast %mul3A_5 : i32 to index
      %swap3A_73 = vector.load %arg8[%swap3A_72] : memref<16384xf32, #tpu.memory_space<vmem>>, vector<4096xf32>
      tpu.vector_store %arg8[%swap3A_72], %min3A {strides = array<i32>} : memref<16384xf32, #tpu.memory_space<vmem>>, vector<4096xf32>,
    } else {
    }
    %get3A_46 = arith.index_cast %mul3A_5 : i32 to index
    %get3A_47 = vector.load %arg7[%get3A_46] : memref<16384xi32, #tpu.memory_space<vmem>>, vector<4096xi32>
    %swap3A = arith.constant 0 : index
    %swap3A_48 = arith.constant 0 : index
    %swap3A_49 = arith.constant 0 : index
    %swap3A_50 = vector.load %arg4[%swap3A, %swap3A_48, %swap3A_49] : memref<1x1x4096xi32, #tpu.memory_space<vmem>>, vector<1x1x4096xi32>
    %swap3A_51 = vector.shape_cast %swap3A_50 : vector<1x1x4096xi32> to vector<4096xi32>
    %swap3A_52 = vector.shape_cast %get3A_47 : vector<4096xi32> to vector<1x1x4096xi32>
    tpu.vector_store %arg4[%swap3A, %swap3A_48, %swap3A_49], %swap3A_52 {strides = array<i32>} : memref<1x1x4096xi32, #tpu.memory_space<vmem>>, vector<1x1x4096xi32>,
    %eq3A_53 = arith.constant 1 : i32
    %eq3A_54 = arith.cmpi eq, %arg0, %eq3A_53 : i32
    %convert_element_type3A_55 = arith.extui %eq3A_54 : i1 to i32
    %cond3A_56 = arith.constant 0 : i32
    %cond3A_57 = arith.cmpi ne, %convert_element_type3A_55, %cond3A_56 : i32
    scf.if %cond3A_57 {
      %get3A_58 = arith.index_cast %mul3A_5 : i32 to index
      %get3A_59 = vector.load %arg8[%get3A_58] : memref<16384xf32, #tpu.memory_space<vmem>>, vector<4096xf32>
      %reduce_sum3A = vector.shape_cast %get3A_59 : vector<4096xf32> to vector<1x4096xf32>
      %reduce_sum3A_60 = arith.constant dense<0.000000e+00> : vector<1xf32>
      %reduce_sum3A_61 = vector.multi_reduction <add>, %reduce_sum3A, %reduce_sum3A_60 [1] : vector<1x4096xf32> to vector<1xf32>
      %reduce_sum3A_62 = vector.shape_cast %reduce_sum3A_61 : vector<1xf32> to vector<1x1xf32>
      %reduce_sum3A_63 = vector.extract %reduce_sum3A_62[0, 0] : f32 from vector<1x1xf32>
      %reshape3A = vector.broadcast %reduce_sum3A_63 : f32 to vector<1x1xf32>
      %eq3A_64 = arith.constant 0 : i32
      %eq3A_65 = arith.cmpi eq, %arg1, %eq3A_64 : i32
      %convert_element_type3A_66 = arith.extui %eq3A_65 : i1 to i32
      %cond3A_67 = arith.constant 0 : i32
      %cond3A_68 = arith.cmpi ne, %convert_element_type3A_66, %cond3A_67 : i32
      scf.if %cond3A_68 {
        %swap3A_74 = arith.constant 0 : index
        %swap3A_75 = arith.constant 0 : index
        %swap3A_76 = vector.load %arg5[%swap3A_74, %swap3A_75] : memref<1x1xf32, #tpu.memory_space<vmem>>, vector<1x1xf32>
        tpu.vector_store %arg5[%swap3A_74, %swap3A_75], %reshape3A {strides = array<i32>} : memref<1x1xf32, #tpu.memory_space<vmem>>, vector<1x1xf32>,
      } else {
      }
      %gt3A_69 = arith.constant 0 : i32
      %gt3A_70 = arith.cmpi sgt, %arg1, %gt3A_69 : i32
      %convert_element_type3A_71 = arith.extui %gt3A_70 : i1 to i32
      %cond3A_72 = arith.constant 0 : i32
      %cond3A_73 = arith.cmpi ne, %convert_element_type3A_71, %cond3A_72 : i32
      scf.if %cond3A_73 {
        %get3A_74 = arith.constant 0 : index
        %get3A_75 = arith.constant 0 : index
        %get3A_76 = vector.load %arg5[%get3A_74, %get3A_75] : memref<1x1xf32, #tpu.memory_space<vmem>>, vector<1x1xf32>
        %add3A_77 = arith.addf %get3A_76, %reshape3A : vector<1x1xf32>
        %swap3A_78 = arith.constant 0 : index
        %swap3A_79 = arith.constant 0 : index
        %swap3A_80 = vector.load %arg5[%swap3A_78, %swap3A_79] : memref<1x1xf32, #tpu.memory_space<vmem>>, vector<1x1xf32>
        tpu.vector_store %arg5[%swap3A_78, %swap3A_79], %add3A_77 {strides = array<i32>} : memref<1x1xf32, #tpu.memory_space<vmem>>, vector<1x1xf32>,
      } else {
      }
    } else {
    }
    return
  }
  func.func @transform_0(%arg0: i32, %arg1: i32) -> (i32, i32) {
    %c0_i32 = arith.constant 0 : i32
    %c0_i32_0 = arith.constant 0 : i32
    return %arg1, %c0_i32 : i32, i32
  }
  func.func @transform_1(%arg0: i32, %arg1: i32) -> (i32, i32) {
    %c0_i32 = arith.constant 0 : i32
    %c0_i32_0 = arith.constant 0 : i32
    return %arg0, %c0_i32 : i32, i32
  }
  func.func @transform_2(%arg0: i32, %arg1: i32) -> (i32, i32, i32) {
    %c0_i32 = arith.constant 0 : i32
    %c0_i32_0 = arith.constant 0 : i32
    %c0_i32_1 = arith.constant 0 : i32
    return %arg1, %c0_i32, %c0_i32_0 : i32, i32, i32
  }
  func.func @transform_3(%arg0: i32, %arg1: i32) -> (i32, i32) {
    %c0_i32 = arith.constant 0 : i32
    %c0_i32_0 = arith.constant 0 : i32
    %c0_i32_1 = arith.constant 0 : i32
    return %c0_i32, %c0_i32_0 : i32, i32
  }
}

</mosaic_0001>

<sc_bundles>
// kernel: kernel.4.cloned.1.call-start
scs
__scs_entry_jumppad:
0x0: {  	(pc) =	sbr.rel $0x88, $3  }
0x1: {  	(tag) =	ssettag $0x0;
	lr =	simm.s32 $0x1  }
0x2: {  	[smem:$0x3F9F] =	sst lr;
	_ =	strace $0xD0000000  }
0x3: {  	_ = 	snop  }
0x4: {  	_ = 	snop  }
0x5: {  	_ = 	snop  }
0x6: {  	_ = 	snop  }
0x7: {  	_ = 	snop  }
__scs_overlays_trampoline_lowered:
0x8: {  	[smem:$0x3FAE] =	sst s0  }
0x9: {  	[smem:$0x3FAF] =	sst s1  }
0xa: {  	[smem:$0x3FB0] =	sst s2  }
0xb: {  	[smem:$0x3FB1] =	sst s3  }
0xc: {  	[smem:$0x3FB2] =	sst s4  }
0xd: {  	[smem:$0x3FB3] =	sst s5  }
0xe: {  	[smem:$0x3FB4] =	sst s6  }
0xf: {  	[smem:$0x3FB5] =	sst s7  }
0x10: {  	[smem:$0x3FB6] =	sst s8  }
0x11: {  	[smem:$0x3FB7] =	sst s9;
	s0 =	simm.s32 @!p0 $0x0  }
0x12: {  	s1 =	sld [smem:$0x3F9D];
	s0 =	simm.s32 @p0 $0x1  }
0x13: {  	[smem:$0x3FB8] =	sst s0;
	s0 =	simm.s32 @!p1 $0x0  }
0x14: {  	s2 =	sld [smem:$0x3F9C];
	s0 =	simm.s32 @p1 $0x1  }
0x15: {  	[smem:$0x3FB9] =	sst s0;
	s0 =	simm.s32 @!p2 $0x0  }
0x16: {  	s3 =	sld [smem:$0x3FDB];
	s0 =	simm.s32 @p2 $0x1  }
0x17: {  	s4 =	simm.s32 $0x1BF5;
	[smem:$0x3FBB] =	sst s0  }
0x18: {  	s0 =	sld [smem:$0x3F9E];
	_ =	swait.ge [sflag:s4], $0x0  }
0x19: {  	s7 =	sld [smem:$0x3F9F]  }
0x1a: {  	s8 =	sadd.s32 $0xFFFFE003, lr  }
0x1b: {  	s9 =	sadd.s32 $0xFFFFFEF7, lr;
	s5 =	simm.s32 $0xFFFFFFFF;
	p2 =	slt.u32 s8, $0xFFFFF086  }
0x1c: {  	p1 =	slt.u32 s9, $0xF7A;
	s5 =	simm.s32 @!p2 $0x0  }
0x1d: {  	s5 =	simm.s32 @p1 $0x1;
	p0 =	seq.s32 s7, s2  }
0x1e: {  	s7 =	smul.u32 @!p0 $0xF7A, s2;
	p2 =	seq.s32 @!p0 s5, $0x0  }
0x1f: {  	s9 =	smul.u32 $0xF7A, s1;
	s8 =	simm.s32 @!p0 $0x1BF5;
	p2 =	por !p2, p0  }
0x20: {  	[sflag:s8] =	ssyncset.s32 @!p0 $0xFFFFF086;
	s6 =	sadd.s32 @!p0 s3, s7;
	s7 =	simm.s32 @!p0 $0x108  }
0x21: {  	s3 =	sadd.s32 s3, s9;
	s6 =	sadd.s32 @!p0 $0x88, s6;
	s7 =	simm.s32 @p2 $0x1082  }
0x22: {  	[simem:s7], [sflag:s8] =	dma.local @!p0 [hbm:s6], $0xF7A  }
0x23: {  	s9 =	sor.u32 $0xD0000000, s2;
	s6 =	simm.s32 $0x108;
	_ =	swait.ge @!p0 [sflag:s8], $0x0  }
0x24: {  	s3 =	sadd.s32 $0x88, s3;
	s6 =	simm.s32 @!p1 $0x1082;
	[sflag:s4] =	ssyncset.s32 $0xFFFFF086  }
0x25: {  	[simem:s6], [sflag:s4] =	dma.local [hbm:s3], $0xF7A  }
0x26: {  	[smem:$0x3F9F] =	sst s1;
	(tag) =	ssettag s2;
	_ =	strace s9  }
0x27: {  	s1 =	sld [smem:$0x3FAF]  }
0x28: {  	s2 =	sld [smem:$0x3FB0]  }
0x29: {  	s4 =	sld [smem:$0x3FB2]  }
0x2a: {  	p0 =	seq.s32 s5, $0x0;
	s5 =	sld [smem:$0x3FB3]  }
0x2b: {  	s6 =	sld [smem:$0x3FB4]  }
0x2c: {  	s7 =	sld [smem:$0x3FB5]  }
0x2d: {  	s3 =	simm.s32 $0x108;
	s8 =	sld [smem:$0x3FB6]  }
0x2e: {  	s3 =	simm.s32 @!p0 $0x1082;
	s9 =	sld [smem:$0x3FB7]  }
0x2f: {  	lr =	sadd.s32 s0, s3;
	s0 =	sld [smem:$0x3FAE]  }
0x30: {  	s3 =	sld [smem:$0x3FB1]  }
0x31: {  	[smem:$0x3FBA] =	sst s10  }
0x32: {  	s10 =	sld [smem:$0x3FB8];
	_ =	sdelay $0x3  }
0x33: {  	p0 =	seq.s32 s10, $0x1;
	s10 =	sld [smem:$0x3FBA];
	_ =	sdelay $0x3  }
0x34: {  	[smem:$0x3FBA] =	sst s10  }
0x35: {  	s10 =	sld [smem:$0x3FB9];
	_ =	sdelay $0x3  }
0x36: {  	p1 =	seq.s32 s10, $0x1;
	s10 =	sld [smem:$0x3FBA];
	_ =	sdelay $0x3  }
0x37: {  	[smem:$0x3FBA] =	sst s10  }
0x38: {  	s10 =	sld [smem:$0x3FBB]  }
0x39: {  	_ = 	snop;
	(pc) =	sbr.ind lr, $3  }
0x3a: {  	_ = 	snop  }
0x3b: {  	_ = 	snop  }
0x3c: {  	p2 =	seq.s32 s10, $0x1;
	s10 =	sld [smem:$0x3FBA]  }
0x3d: {  	_ =	shalt  }
0x3e: {  	_ =	shalt  }
0x3f: {  	_ =	shalt  }
0x40: {  	_ =	shalt  }
0x41: {  	_ =	shalt  }
0x42: {  	_ =	shalt  }
0x43: {  	_ =	shalt  }
0x44: {  	_ =	shalt  }
0x45: {  	_ =	shalt  }
0x46: {  	_ =	shalt  }
0x47: {  	_ =	shalt  }
0x48: {  	_ =	shalt  }
0x49: {  	_ =	shalt  }
0x4a: {  	_ =	shalt  }
0x4b: {  	_ =	shalt  }
0x4c: {  	_ =	shalt  }
0x4d: {  	_ =	shalt  }
0x4e: {  	_ =	shalt  }
0x4f: {  	_ =	shalt  }
0x50: {  	_ =	shalt  }
0x51: {  	_ =	shalt  }
0x52: {  	_ =	shalt  }
0x53: {  	_ =	shalt  }
0x54: {  	_ =	shalt  }
0x55: {  	_ =	shalt  }
0x56: {  	_ =	shalt  }
0x57: {  	_ =	shalt  }
0x58: {  	_ =	shalt  }
0x59: {  	_ =	shalt  }
0x5a: {  	_ =	shalt  }
0x5b: {  	_ =	shalt  }
0x5c: {  	_ =	shalt  }
0x5d: {  	_ =	shalt  }
0x5e: {  	_ =	shalt  }
0x5f: {  	_ =	shalt  }
0x60: {  	_ =	shalt  }
0x61: {  	_ =	shalt  }
0x62: {  	_ =	shalt  }
0x63: {  	_ =	shalt  }
0x64: {  	_ =	shalt  }
0x65: {  	_ =	shalt  }
0x66: {  	_ =	shalt  }
0x67: {  	_ =	shalt  }
0x68: {  	_ =	shalt  }
0x69: {  	_ =	shalt  }
0x6a: {  	_ =	shalt  }
0x6b: {  	_ =	shalt  }
0x6c: {  	_ =	shalt  }
0x6d: {  	_ =	shalt  }
0x6e: {  	_ =	shalt  }
0x6f: {  	_ =	shalt  }
0x70: {  	_ =	shalt  }
0x71: {  	_ =	shalt  }
0x72: {  	_ =	shalt  }
0x73: {  	_ =	shalt  }
0x74: {  	_ =	shalt  }
0x75: {  	_ =	shalt  }
0x76: {  	_ =	shalt  }
0x77: {  	_ =	shalt  }
0x78: {  	_ =	shalt  }
0x79: {  	_ =	shalt  }
0x7a: {  	_ =	shalt  }
0x7b: {  	_ =	shalt  }
0x7c: {  	_ =	shalt  }
0x7d: {  	_ =	shalt  }
0x7e: {  	_ =	shalt  }
0x7f: {  	_ =	shalt  }
0x80: {  	_ =	shalt  }
0x81: {  	_ =	shalt  }
0x82: {  	_ =	shalt  }
0x83: {  	_ =	shalt  }
0x84: {  	_ =	shalt  }
0x85: {  	_ =	shalt  }
0x86: {  	_ =	shalt  }
0x87: {  	_ =	shalt  }
.Lfunc_end0:
.L_simem_size_0:
called_computation_lowered:
.L_overlay_start_0:
0x88: {  	s2 =	sld [smem:$0x3FD9]  }
0x89: {  	s3 =	sld [smem:$0x3FFE];
	_ =	sdelay $0x1  }
0x8a: {  	s1 =	srdreg.scid  }
0x8b: {  	s0 =	sand.u32 $0x1, s1  }
0x8c: {  	s14 =	sshll.u32 s0, $0xA;
	s2 =	sadd.s32 s3, s2  }
0x8d: {  	s2 =	sadd.s32 s2, s14  }
0x8e: {  	[smem:$0x3FC6] =	sst s2  }
0x8f: {  	_ = 	snop  }
0x90: {  	s2 =	sld [smem:$0x3FD0];
	_ =	sdelay $0x2  }
0x91: {  	s15 =	simm.s32 $0xA;
	s4 =	simm.s32 $0x10  }
0x92: {  	[smem:s4], [sflag:s15] =	dma.local [hbm:s2], $0x1  }
0x93: {  	_ =	swait.eq [sflag:s15], $0x1  }
0x94: {  	[sflag:s15] =	ssyncset.done $0x0  }
0x95: {  	[sflag:s15] =	ssyncadd.s32 $0xFFFFFFFF  }
0x96: {  	s16 =	sld [smem:$0x10];
	(tm) =	ssettm $0x1  }
0x97: {  	s17 =	sld [smem:$0x3FFB];
	_ =	sdelay $0x3  }
0x98: {  	_ =	strace s17  }
0x99: {  	s3 =	sld [smem:$0x3FFC];
	_ =	sdelay $0x3  }
0x9a: {  	_ =	strace s3  }
0x9b: {  	s3 =	sld [smem:$0x3FFD];
	_ =	sdelay $0x3  }
0x9c: {  	_ =	strace s3  }
0x9d: {  	_ =	strace $0x8FFFFFFF  }
0x9e: {  	s18 =	sld [smem:$0x3FDB];
	_ =	sdelay $0x1  }
0x9f: {  	s19 =	simm.s32 $_scs_section_size  }
0xa0: {  	s5 =	simm.s32 $_size__tile_overlayer_lowered;
	s6 =	simm.s32 $_tile_overlayer_lowered  }
0xa1: {  	s22 =	simm.s32 $0x1BFF;
	s21 =	sshll.u32 s6, $0x1;
	s3 =	sadd.s32 s19, s18  }
0xa2: {  	s7 =	simm.s32 $0x0;
	s20 =	sshll.u32 s5, $0x1;
	s5 =	sadd.s32 s21, s3  }
0xa3: {  	[timem:s7], [sflag:s22] =	dma.local [hbm:s5], s20  }
0xa4: {  	_ =	swait.ge [sflag:s22], s20  }
0xa5: {  	s4 =	ssub.s32 $0x0, s20;
	[sflag:s22] =	ssyncset.done $0x0  }
0xa6: {  	[sflag:s22] =	ssyncadd.s32 s4;
	_ =	sdelay $0x1  }
0xa7: {  	s23 =	simm.s32 $0x1B8B  }
0xa8: {  	_ =	swait.ge [sflag:s23], $0x1  }
0xa9: {  	[sflag:s23] =	ssyncset.done $0x0  }
0xaa: {  	s25 =	simm.s32 $0x1B8E;
	s24 =	sld [smem:$0x3FFE];
	[sflag:s23] =	ssyncadd.s32 $0xFFFFFFFF  }
0xab: {  	s26 =	simm.s32 $execute0_lowered;
	[smem:$0x3FD2] =	sst s25  }
0xac: {  	s5 =	sshll.u32 s26, $0x1;
	_ =	strace $0x80000046;
	[dreg:$0x1] =	wrdreg $0xFFFFFFFF  }
0xad: {  	s28 =	simm.s32 $_size_execute0_lowered;
	s3 =	sadd.s32 s3, s5;
	[dreg:$0x0] =	wrdreg $0x0  }
0xae: {  	s5 =	sshll.u32 s28, $0x1;
	[dreg:$0x2] =	wrdreg s3  }
0xaf: {  	[dreg:$0x3] =	wrdreg s5  }
0xb0: {  	[dreg:$0x4] =	wrdreg $0xC0  }
0xb1: {  	_ =	task [dreg:s7], $0x5FFFF  }
0xb2: {  	[dreg:$0x1] =	wrdreg $0xFFFFFFFF  }
0xb3: {  	[dreg:$0x0] =	wrdreg $0x60  }
0xb4: {  	[dreg:$0x2] =	wrdreg s24  }
0xb5: {  	[dreg:$0x3] =	wrdreg s16  }
0xb6: {  	[dreg:$0x4] =	wrdreg $0x9  }
0xb7: {  	_ =	task.clear_ibuf [dreg:s7], $0x5FFFF;
	_ =	strace $0x90000046  }
0xb8: {  	s29 =	simm.s32 $0x9;
	_ =	strace $0x80000048  }
0xb9: {  	_ =	swait.ge [sflag:s29], $0x1  }
0xba: {  	[sflag:s29] =	ssyncadd.s32 $0xFFFFFFFF  }
0xbb: {  	_ =	strace $0x90000048  }
0xbc: {  	_ =	sfence  }
0xbd: {  	s30 =	sld [smem:$0x0];
	_ =	sdelay $0x2  }
0xbe: {  	s31 =	sshll.u32 s1, $0xD;
	s1 =	sshrl.u32 s1, $0x2  }
0xbf: {  	s3 =	sand.u32 $0x4000, s31;
	s1 =	sadd.s32 s1, s30  }
0xc0: {  	s0 =	sor.u32 s3, s0;
	s1 =	sshll.u32 s1, $0x11  }
0xc1: {  	s0 =	sor.u32 s1, s0  }
0xc2: {  	s0 =	sadd.s32 $0x8F2B, s0  }
0xc3: {  	[sflag:s0] =	ssyncadd.remote.s32 $0x1  }
0xc4: {  	_ =	sfence.sel $0xFFFF  }
0xc5: {  	[dreg:$0x0] =	wrdreg $0xFFFFFFFF;
	(pc) =	sbr.abs _section_cstart, $3  }
0xc6: {  	[dreg:$0x1] =	wrdreg $0xFFFFFFFF  }
0xc7: {  	_ =	task.clear_ibuf [dreg:s7], $0x2FFFF;
	_ =	strace $0x9FFFFFFF  }
0xc8: {  	(tm) =	ssettm $0x7FFFFFFF  }
0xc9: {  	_ =	shalt  }
tec
execute0_lowered:
.L_overlay_start_1:
0x0: {  	(tag) =	ssettag $0x1  }
0x1: {  	s1 =	srdreg.scid  }
0x2: {  	s11 =	rddreg [dreg:$0x0];
	s0 =	stileid.u32;
	s19 =	sand.u32 $0x1, s1  }
0x3: {  	s20 =	rddreg [dreg:$0x1];
	s3 =	sshll.u32 s0, $0xA;
	s4 =	sshll.u32 s19, $0x9  }
0x4: {  	s2 =	simm.s32 $0x0;
	s1 =	rddreg [dreg:$0x2];
	s17 =	sor.u32 s4, s3  }
0x5: {  	[smem:$0x7FF] =	sst s2;
	s9 =	sadd.s32 $0x800, s11;
	s3 =	sshrl.u32 s17, $0x3  }
0x6: {  	_ =	strace $0x80000047;
	s4 =	sadd.s32 s9, s3;
	s3 =	simm.s32 $0x2  }
0x7: {  	[tilespmem:s2], [sflag:$0x2] =	stream.linear.gather [hbm4b:s4+s2], $0x80, $0x38;
	[tilespmem:$0x10200] =	vst v63  }
0x8: {  	s18 =	sor.u32 $0x80, s17;
	_ =	swait.ge [sflag:s3], $0x80  }
0x9: {  	s5 =	sshrl.u32 s18, $0x3;
	[sflag:s3] =	ssyncset.done $0x0  }
0xa: {  	s6 =	simm.s32 $0x80;
	s5 =	sadd.s32 s9, s5;
	[sflag:s3] =	ssyncadd.s32 $0xFFFFFF80  }
0xb: {  	[tilespmem:s6], [sflag:$0x2] =	stream.linear.gather [hbm4b:s5+s2], $0x80, $0x38;
	[tilespmem:$0x10200] =	vst v63  }
0xc: {  	s21 =	sor.u32 $0x100, s17;
	_ =	swait.ge [sflag:s3], $0x80  }
0xd: {  	s7 =	sshrl.u32 s21, $0x3;
	[sflag:s3] =	ssyncset.done $0x0  }
0xe: {  	s8 =	simm.s32 $0x100;
	s7 =	sadd.s32 s9, s7;
	[sflag:s3] =	ssyncadd.s32 $0xFFFFFF80  }
0xf: {  	[tilespmem:s8], [sflag:$0x2] =	stream.linear.gather [hbm4b:s7+s2], $0x80, $0x38;
	[tilespmem:$0x10200] =	vst v63  }
0x10: {  	s22 =	sor.u32 $0x180, s17;
	_ =	swait.ge [sflag:s3], $0x80  }
0x11: {  	s10 =	sshrl.u32 s22, $0x3;
	[sflag:s3] =	ssyncset.done $0x0  }
0x12: {  	s9 =	sadd.s32 s9, s10;
	s10 =	simm.s32 $0x180;
	[sflag:s3] =	ssyncadd.s32 $0xFFFFFF80  }
0x13: {  	[tilespmem:s10], [sflag:$0x2] =	stream.linear.gather [hbm4b:s9+s2], $0x80, $0x38;
	[tilespmem:$0x10200] =	vst v63  }
0x14: {  	_ =	swait.ge [sflag:s3], $0x80  }
0x15: {  	[sflag:s3] =	ssyncset.done $0x0  }
0x16: {  	s12 =	simm.s32 $0x200;
	s11 =	sadd.s32 $0x1000, s11;
	[sflag:s3] =	ssyncadd.s32 $0xFFFFFF80  }
0x17: {  	[tilespmem:s12], [sflag:$0x1] =	stream.indirect.gather [hbm4b:s11+s6], $0x80, s2, s6, $0xb8;
	[tilespmem:$0x10200] =	vst v63  }
0x18: {  	s13 =	simm.s32 $0x4200  }
0x19: {  	[tilespmem:s13], [sflag:$0x1] =	stream.indirect.gather [hbm4b:s11+s6], $0x80, s6, s6, $0xb8;
	[tilespmem:$0x10200] =	vst v63  }
0x1a: {  	s14 =	simm.s32 $0x8200  }
0x1b: {  	[tilespmem:s14], [sflag:$0x1] =	stream.indirect.gather [hbm4b:s11+s6], $0x80, s8, s6, $0xb8;
	[tilespmem:$0x10200] =	vst v63  }
0x1c: {  	s15 =	simm.s32 $0xC200;
	s16 =	simm.s32 $0x1  }
0x1d: {  	[tilespmem:s15], [sflag:$0x1] =	stream.indirect.gather [hbm4b:s11+s6], $0x80, s10, s6, $0xb8;
	[tilespmem:$0x10200] =	vst v63  }
0x1e: {  	_ =	swait.ge [sflag:s16], $0x4000  }
0x1f: {  	[sflag:s16] =	ssyncset.done $0x0  }
0x20: {  	[sflag:s16] =	ssyncadd.s32 $0xFFFFC000  }
0x21: {  	_ =	swait.ge [sflag:s16], $0x4000  }
0x22: {  	[sflag:s16] =	ssyncset.done $0x0  }
0x23: {  	[sflag:s16] =	ssyncadd.s32 $0xFFFFC000  }
0x24: {  	_ =	swait.ge [sflag:s16], $0x4000  }
0x25: {  	[sflag:s16] =	ssyncset.done $0x0  }
0x26: {  	[sflag:s16] =	ssyncadd.s32 $0xFFFFC000  }
0x27: {  	_ =	swait.ge [sflag:s16], $0x4000  }
0x28: {  	s17 =	sshll.u32 s17, $0x4;
	[sflag:s16] =	ssyncset.done $0x0  }
0x29: {  	s17 =	sadd.s32 s20, s17;
	[sflag:s16] =	ssyncadd.s32 $0xFFFFC000  }
0x2a: {  	[hbm4b:s17+s2] =	stream.linear.scatter [tilespmem:s12], [sflag:$0x2], $0x4000, $0x38;
	[tilespmem:$0x10200] =	vst v63  }
0x2b: {  	_ =	swait.ge [sflag:s3], $0x4000  }
0x2c: {  	s18 =	sshll.u32 s18, $0x4;
	[sflag:s3] =	ssyncset.done $0x0  }
0x2d: {  	s23 =	ssub.s32 $0x2, s19;
	s18 =	sadd.s32 s20, s18;
	[sflag:s3] =	ssyncadd.s32 $0xFFFFC000  }
0x2e: {  	[hbm4b:s18+s2] =	stream.linear.scatter [tilespmem:s13], [sflag:$0x2], $0x4000, $0x38;
	[tilespmem:$0x10200] =	vst v63  }
0x2f: {  	s31 =	sshrl.u32 s23, $0x1;
	s21 =	sshll.u32 s21, $0x4;
	_ =	swait.ge [sflag:s3], $0x4000  }
0x30: {  	s19 =	sadd.s32 s20, s21;
	s21 =	ssub.s32 s23, s31;
	[sflag:s3] =	ssyncset.done $0x0  }
0x31: {  	s21 =	smax.u32 s21, $0x1;
	[sflag:s3] =	ssyncadd.s32 $0xFFFFC000  }
0x32: {  	[hbm4b:s19+s2] =	stream.linear.scatter [tilespmem:s14], [sflag:$0x2], $0x4000, $0x38;
	[tilespmem:$0x10200] =	vst v63  }
0x33: {  	p0 =	sne.s32 s21, $0x1;
	_ =	swait.ge [sflag:s3], $0x4000  }
.Ltmp0:
0x34: {  	s22 =	sshll.u32 s22, $0x4;
	[sflag:s3] =	ssyncset.done $0x0;
	(pc) =	sbr.rel @!p0 .LBB2_2-.Ltmp0, $4  }
0x35: {  	s20 =	sadd.s32 s20, s22;
	[sflag:s3] =	ssyncadd.s32 $0xFFFFC000  }
0x36: {  	[hbm4b:s20+s2] =	stream.linear.scatter [tilespmem:s15], [sflag:$0x2], $0x4000, $0x38;
	[tilespmem:$0x10200] =	vst v63  }
0x37: {  	_ =	swait.ge [sflag:s3], $0x4000  }
0x38: {  	s21 =	sadd.s32 $0xFFFFFFFF, s21;
	[sflag:s3] =	ssyncset.done $0x0  }
.LBB2_1:
0x39: {  	p0 =	sne.s32 s21, $0x1;
	s21 =	sadd.s32 $0xFFFFFFFF, s21;
	[sflag:s3] =	ssyncadd.s32 $0xFFFFC000  }
0x3a: {  	[tilespmem:s2], [sflag:$0x2] =	stream.linear.gather [hbm4b:s4+s2], $0x80, $0x38;
	[tilespmem:$0x10200] =	vst v63  }
0x3b: {  	_ =	swait.ge [sflag:s3], $0x80  }
0x3c: {  	[sflag:s3] =	ssyncset.done $0x0  }
0x3d: {  	[sflag:s3] =	ssyncadd.s32 $0xFFFFFF80  }
0x3e: {  	[tilespmem:s6], [sflag:$0x2] =	stream.linear.gather [hbm4b:s5+s2], $0x80, $0x38;
	[tilespmem:$0x10200] =	vst v63  }
0x3f: {  	_ =	swait.ge [sflag:s3], $0x80  }
0x40: {  	[sflag:s3] =	ssyncset.done $0x0  }
0x41: {  	[sflag:s3] =	ssyncadd.s32 $0xFFFFFF80  }
0x42: {  	[tilespmem:s8], [sflag:$0x2] =	stream.linear.gather [hbm4b:s7+s2], $0x80, $0x38;
	[tilespmem:$0x10200] =	vst v63  }
0x43: {  	_ =	swait.ge [sflag:s3], $0x80  }
0x44: {  	[sflag:s3] =	ssyncset.done $0x0  }
0x45: {  	[sflag:s3] =	ssyncadd.s32 $0xFFFFFF80  }
0x46: {  	[tilespmem:s10], [sflag:$0x2] =	stream.linear.gather [hbm4b:s9+s2], $0x80, $0x38;
	[tilespmem:$0x10200] =	vst v63  }
0x47: {  	_ =	swait.ge [sflag:s3], $0x80  }
0x48: {  	[sflag:s3] =	ssyncset.done $0x0  }
0x49: {  	[sflag:s3] =	ssyncadd.s32 $0xFFFFFF80  }
0x4a: {  	[tilespmem:s12], [sflag:$0x1] =	stream.indirect.gather [hbm4b:s11+s6], $0x80, s2, s6, $0xb8;
	[tilespmem:$0x10200] =	vst v63  }
0x4b: {  	_ = 	snop  }
0x4c: {  	[tilespmem:s13], [sflag:$0x1] =	stream.indirect.gather [hbm4b:s11+s6], $0x80, s6, s6, $0xb8;
	[tilespmem:$0x10200] =	vst v63  }
0x4d: {  	_ = 	snop  }
0x4e: {  	[tilespmem:s14], [sflag:$0x1] =	stream.indirect.gather [hbm4b:s11+s6], $0x80, s8, s6, $0xb8;
	[tilespmem:$0x10200] =	vst v63  }
0x4f: {  	_ = 	snop  }
0x50: {  	[tilespmem:s15], [sflag:$0x1] =	stream.indirect.gather [hbm4b:s11+s6], $0x80, s10, s6, $0xb8;
	[tilespmem:$0x10200] =	vst v63  }
0x51: {  	_ =	swait.ge [sflag:s16], $0x4000  }
0x52: {  	[sflag:s16] =	ssyncset.done $0x0  }
0x53: {  	[sflag:s16] =	ssyncadd.s32 $0xFFFFC000  }
0x54: {  	_ =	swait.ge [sflag:s16], $0x4000  }
0x55: {  	[sflag:s16] =	ssyncset.done $0x0  }
0x56: {  	[sflag:s16] =	ssyncadd.s32 $0xFFFFC000  }
0x57: {  	_ =	swait.ge [sflag:s16], $0x4000  }
0x58: {  	[sflag:s16] =	ssyncset.done $0x0  }
0x59: {  	[sflag:s16] =	ssyncadd.s32 $0xFFFFC000  }
0x5a: {  	_ =	swait.ge [sflag:s16], $0x4000  }
0x5b: {  	[sflag:s16] =	ssyncset.done $0x0  }
0x5c: {  	[sflag:s16] =	ssyncadd.s32 $0xFFFFC000  }
0x5d: {  	[hbm4b:s17+s2] =	stream.linear.scatter [tilespmem:s12], [sflag:$0x2], $0x4000, $0x38;
	[tilespmem:$0x10200] =	vst v63  }
0x5e: {  	_ =	swait.ge [sflag:s3], $0x4000  }
0x5f: {  	[sflag:s3] =	ssyncset.done $0x0  }
0x60: {  	[sflag:s3] =	ssyncadd.s32 $0xFFFFC000  }
0x61: {  	[hbm4b:s18+s2] =	stream.linear.scatter [tilespmem:s13], [sflag:$0x2], $0x4000, $0x38;
	[tilespmem:$0x10200] =	vst v63  }
0x62: {  	_ =	swait.ge [sflag:s3], $0x4000  }
0x63: {  	[sflag:s3] =	ssyncset.done $0x0  }
0x64: {  	[sflag:s3] =	ssyncadd.s32 $0xFFFFC000  }
0x65: {  	[hbm4b:s19+s2] =	stream.linear.scatter [tilespmem:s14], [sflag:$0x2], $0x4000, $0x38;
	[tilespmem:$0x10200] =	vst v63  }
0x66: {  	_ =	swait.ge [sflag:s3], $0x4000  }
.Ltmp1:
0x67: {  	[sflag:s3] =	ssyncset.done $0x0;
	(pc) =	sbr.rel @p0 .LBB2_1-.Ltmp1, $4  }
0x68: {  	[sflag:s3] =	ssyncadd.s32 $0xFFFFC000  }
0x69: {  	[hbm4b:s20+s2] =	stream.linear.scatter [tilespmem:s15], [sflag:$0x2], $0x4000, $0x38;
	[tilespmem:$0x10200] =	vst v63  }
0x6a: {  	_ =	swait.ge [sflag:s3], $0x4000  }
0x6b: {  	[sflag:s3] =	ssyncset.done $0x0  }
.LBB2_2:
0x6c: {  	[sflag:s3] =	ssyncadd.s32 $0xFFFFC000  }
0x6d: {  	_ =	sfence.sel $0x180000  }
0x6e: {  	[bflag:$0x0] =	sbarrier.arrive $0xFFFF  }
0x6f: {  	p0 =	sne.s32 s0, $0x0;
	_ =	strace $0x90000047  }
0x70: {  	s0 =	sadd.s32 @!p0 $0x100000, s1;
	[bflag:$0x2] =	sbarrier.arrive $0xFFFF  }
0x71: {  	[sflag:s0] =	ssyncadd.tile.s32 @!p0 $0x1;
	_ =	shalt  }
.Lfunc_end2:
_tile_overlayer_lowered:
.L_overlay_start_2:
0x72: {  	(tag) =	ssettag $0x2  }
0x73: {  	s0 =	rddreg [dreg:$0x0];
	s2 =	stileid.u32  }
0x74: {  	s1 =	rddreg [dreg:$0x1];
	p0 =	sne.s32 s2, $0x0  }
0x75: {  	s3 =	rddreg [dreg:$0x2];
	[bflag:$0x3] =	sbarrier.arrive $0xFFFF;
	s2 =	simm.s32 @!p0 $0x1C02  }
0x76: {  	[timem:s3], [sflag:s2] =	dma.local @!p0 [hbm:s0], s1  }
0x77: {  	s0 =	simm.s32 @!p0 $0x2  }
0x78: {  	_ =	swait.ge @!p0 [sflag:s0], s1  }
0x79: {  	s1 =	ssub.s32 @!p0 $0x0, s1;
	[sflag:s0] =	ssyncset.done @!p0 $0x0  }
0x7a: {  	[sflag:s0] =	ssyncadd.s32 @!p0 s1  }
0x7b: {  	[bflag:$0x3] =	sbarrier.arrive $0xFFFF  }
0x7c: {  	_ =	shalt  }

</sc_bundles>
